<compile_context>
chip_gen: v7x
topology: tpu7x:2x2x1
jax: 0.10.2.dev20260603
libtpu: 0.0.44.dev20260713+nightly
codegen_flags: <defaults>
</compile_context>

<pallas_src>
import functools

import jax
import jax.numpy as jnp
from jax import lax
from jax.experimental import pallas as pl
from jax.experimental.pallas import tpu as pltpu
from jax.experimental.pallas import tpu_sc as plsc

TIME_CLIP = 2048
HIDDEN = 32
BATCH = 1024
HIST = 50
PAIRS = HIST * HIST
LANES = 16
PAIRS_PAD = 2528
NCHUNK = PAIRS_PAD // LANES
H0 = 1264
H1 = PAIRS - H0
TAB_ROWS = TIME_CLIP + 1


def kernel(timestamps, time_emb):
    info = plsc.get_sparse_core_info()
    num_workers = info.num_cores * info.num_subcores
    b_per_w = BATCH // num_workers

    flat = jnp.arange(PAIRS_PAD, dtype=jnp.int32)
    valid = flat < PAIRS
    i_idx = jnp.where(valid, flat // HIST, 0).astype(jnp.int32)
    j_idx = jnp.where(valid, flat % HIST, 0).astype(jnp.int32)

    mesh = plsc.VectorSubcoreMesh(core_axis_name="c", subcore_axis_name="s")

    @functools.partial(
        pl.kernel,
        mesh=mesh,
        compiler_params=pltpu.CompilerParams(
            needs_layout_passes=False, use_tc_tiling_on_sc=False),
        out_type=jax.ShapeDtypeStruct((BATCH, PAIRS, HIDDEN), jnp.float32),
        scratch_types=[
            pltpu.VMEM((b_per_w * HIST,), jnp.int32),
            pltpu.VMEM((PAIRS_PAD,), jnp.int32),
            pltpu.VMEM((PAIRS_PAD,), jnp.int32),
            pltpu.VMEM((PAIRS_PAD,), jnp.int32),
            pltpu.VMEM((PAIRS_PAD,), jnp.int32),
            pltpu.VMEM((H0, HIDDEN), jnp.float32),
            pltpu.VMEM((H1, HIDDEN), jnp.float32),
            pltpu.VMEM_SHARED((TAB_ROWS, HIDDEN), jnp.float32),
            pltpu.SemaphoreType.DMA,
            pltpu.SemaphoreType.DMA,
            pltpu.SemaphoreType.DMA,
            pltpu.SemaphoreType.DMA,
        ],
    )
    def sc_kernel(ts_hbm, tab_hbm, ii_hbm, jj_hbm, out_hbm,
                  ts_v, ii_v, jj_v, ib0, ib1, rb0, rb1, tab_sh,
                  gs0, gs1, ss0, ss1):
        cid = lax.axis_index("c")
        sid = lax.axis_index("s")
        wid = sid * info.num_cores + cid
        b0 = wid * b_per_w
        nb = b_per_w

        pltpu.sync_copy(ts_hbm.at[pl.ds(b0 * HIST, b_per_w * HIST)], ts_v)
        pltpu.sync_copy(ii_hbm, ii_v)
        pltpu.sync_copy(jj_hbm, jj_v)

        trow = sid * 128
        pltpu.sync_copy(tab_hbm.at[pl.ds(trow, 128)], tab_sh.at[pl.ds(trow, 128)])

        @pl.when(sid == info.num_subcores - 1)
        def _():
            pltpu.sync_copy(tab_hbm.at[pl.ds(TAB_ROWS - 1, 1)],
                            tab_sh.at[pl.ds(TAB_ROWS - 1, 1)])

        plsc.subcore_barrier()

        def compute_idx(b, ib_ref):
            boff = b * HIST

            def chunk_body(c, carry):
                off = c * LANES
                ii = ii_v[pl.ds(off, LANES)]
                jj = jj_v[pl.ds(off, LANES)]
                ti = plsc.load_gather(ts_v, [ii + boff])
                tj = plsc.load_gather(ts_v, [jj + boff])
                d = jnp.minimum(jnp.abs(ti - tj), TIME_CLIP)
                ib_ref[pl.ds(off, LANES)] = d
                return carry

            lax.fori_loop(0, NCHUNK, chunk_body, 0, unroll=4)

        def gather0(ib_ref):
            return pltpu.make_async_copy(
                tab_sh.at[ib_ref.at[pl.ds(0, H0)]], rb0, gs0)

        def gather1(ib_ref):
            return pltpu.make_async_copy(
                tab_sh.at[ib_ref.at[pl.ds(H0, H1)]], rb1, gs1)

        def scatter0(b):
            return pltpu.make_async_copy(
                rb0, out_hbm.at[b0 + b, pl.ds(0, H0)], ss0)

        def scatter1(b):
            return pltpu.make_async_copy(
                rb1, out_hbm.at[b0 + b, pl.ds(H0, H1)], ss1)

        compute_idx(0, ib0)
        gather0(ib0).start()
        gather1(ib0).start()

        def pair_body(k, carry):
            e = 2 * k
            o = 2 * k + 1
            nxt = lax.rem(o + 1, nb)

            compute_idx(o, ib1)
            gather0(ib0).wait()
            scatter0(e).start()
            gather1(ib0).wait()
            scatter1(e).start()
            scatter0(e).wait()
            gather0(ib1).start()
            scatter1(e).wait()
            gather1(ib1).start()

            compute_idx(nxt, ib0)
            gather0(ib1).wait()
            scatter0(o).start()
            gather1(ib1).wait()
            scatter1(o).start()
            scatter0(o).wait()
            gather0(ib0).start()
            scatter1(o).wait()
            gather1(ib0).start()
            return carry

        lax.fori_loop(0, nb // 2, pair_body, 0)
        gather0(ib0).wait()
        gather1(ib0).wait()

    out = sc_kernel(timestamps.reshape(BATCH * HIST), time_emb, i_idx, j_idx)
    return out.reshape(BATCH, HIST, HIST, HIDDEN)

# --- scband reference (transcript-rebuilt; emitter-appended) ---
"""Pipeline reference for scband-ti-sas-relative-time-embedding-3384434229578 (READ-ONLY COPY).

The authoritative reference and input builder live on the scoring server;
editing this copy changes nothing except your own understanding.
"""

import jax, jax.numpy as jnp
import numpy as np

TIME_CLIP = 2048
HIDDEN = 32
BATCH = 1024
HIST = 50

def setup_inputs(seed: int = 0) -> dict:
    key = jax.random.key(seed)
    k1, k2 = jax.random.split(key)
    timestamps = jnp.sort(jax.random.randint(k1, (BATCH, HIST), 0, 100000, dtype=jnp.int32), axis=-1)
    time_emb = jax.random.normal(k2, (TIME_CLIP + 1, HIDDEN), dtype=jnp.float32) * 0.02
    return {"timestamps": timestamps, "time_emb": time_emb}

def reference(timestamps, time_emb):
    # query_time, key_time = (t, t)
    time_diff = timestamps[:, :, None] - timestamps[:, None, :]
    time_diff = jnp.clip(jnp.abs(time_diff), 0, TIME_CLIP)
    # nn.Embedding lookup -> gather rows of the table
    return jnp.take(time_emb, time_diff, axis=0)

if __name__ == "__main__":
    import jax
    _d = setup_inputs()
    print(jax.jit(kernel)(*tuple(_d.values())))

</pallas_src>

<mosaic_0001>
#map = affine_map<(d0, d1) -> (0)>
#map1 = affine_map<(d0, d1) -> (0, 0)>
#map2 = affine_map<(d0, d1) -> (0, 0, 0)>
module attributes {stable_mosaic.version = 14 : i64} {
  func.func @sc_kernel(%arg0: i32, %arg1: i32, %arg2: memref<51200xi32, #tpu.memory_space<hbm>>, %arg3: memref<2049x32xf32, #tpu.memory_space<hbm>>, %arg4: memref<2528xi32, #tpu.memory_space<hbm>>, %arg5: memref<2528xi32, #tpu.memory_space<hbm>>, %arg6: memref<1024x2500x32xf32, #tpu.memory_space<hbm>>, %arg7: memref<1600xi32, #tpu.memory_space<vmem>>, %arg8: memref<2528xi32, #tpu.memory_space<vmem>>, %arg9: memref<2528xi32, #tpu.memory_space<vmem>>, %arg10: memref<2528xi32, #tpu.memory_space<vmem>>, %arg11: memref<2528xi32, #tpu.memory_space<vmem>>, %arg12: memref<1264x32xf32, #tpu.memory_space<vmem>>, %arg13: memref<1236x32xf32, #tpu.memory_space<vmem>>, %arg14: memref<2049x32xf32, #tpu.memory_space<vmem_shared>>, %arg15: memref<!tpu.dma_semaphore, #tpu.memory_space<semaphore_mem>>, %arg16: memref<!tpu.dma_semaphore, #tpu.memory_space<semaphore_mem>>, %arg17: memref<!tpu.dma_semaphore, #tpu.memory_space<semaphore_mem>>, %arg18: memref<!tpu.dma_semaphore, #tpu.memory_space<semaphore_mem>>) attributes {dimension_semantics = [#tpu.dimension_semantics<core_parallel>, #tpu.dimension_semantics<subcore_parallel>], iteration_bounds = array<i64: 2, 16>, scalar_prefetch = 0 : i64, scratch_operands = 12 : i64, tpu.core_type = #tpu.core_type<sc_vector_subcore>, window_params = [{transform_indices = #map}, {transform_indices = #map1}, {transform_indices = #map}, {transform_indices = #map}, {transform_indices = #map2}]} {
    %mul3A = arith.constant 2 : i32
    %mul3A_0 = arith.muli %arg1, %mul3A : i32
    %add3A = arith.addi %mul3A_0, %arg0 : i32
    %mul3A_1 = arith.constant 32 : i32
    %mul3A_2 = arith.muli %add3A, %mul3A_1 : i32
    %mul3A_3 = arith.constant 50 : i32
    %mul3A_4 = arith.muli %mul3A_2, %mul3A_3 : i32
    "tpu.region"() ({
      %run_scoped3A = tpu.sem_alloc : memref<!tpu.dma_semaphore, #tpu.memory_space<semaphore_mem>>
      %dma_start3A_78 = tpu.memref_slice %arg2[%mul3A_4] : memref<51200xi32, #tpu.memory_space<hbm>> -> memref<1600xi32, #tpu.memory_space<hbm>>
      %dma_start3A_79 = tpu.memref_slice %arg2[%mul3A_4] : memref<51200xi32, #tpu.memory_space<hbm>> -> memref<1600xi32, #tpu.memory_space<hbm>>
      tpu.enqueue_dma source(%dma_start3A_79 : memref<1600xi32, #tpu.memory_space<hbm>>) target(%arg7 : memref<1600xi32, #tpu.memory_space<vmem>>) target_semaphore(%run_scoped3A : memref<!tpu.dma_semaphore, #tpu.memory_space<semaphore_mem>>)
      %dma_wait3A_80 = tpu.memref_slice %arg2[%mul3A_4] : memref<51200xi32, #tpu.memory_space<hbm>> -> memref<1600xi32, #tpu.memory_space<hbm>>
      %dma_wait3A_81 = tpu.memref_slice %arg2[%mul3A_4] : memref<51200xi32, #tpu.memory_space<hbm>> -> memref<1600xi32, #tpu.memory_space<hbm>>
      tpu.wait_dma2 semaphore(%run_scoped3A : memref<!tpu.dma_semaphore, #tpu.memory_space<semaphore_mem>>) src(%dma_wait3A_81 : memref<1600xi32, #tpu.memory_space<hbm>>) dst(%arg7 : memref<1600xi32, #tpu.memory_space<vmem>>)
      tpu.yield
    }) : () -> ()
    "tpu.region"() ({
      %run_scoped3A = tpu.sem_alloc : memref<!tpu.dma_semaphore, #tpu.memory_space<semaphore_mem>>
      tpu.enqueue_dma source(%arg4 : memref<2528xi32, #tpu.memory_space<hbm>>) target(%arg8 : memref<2528xi32, #tpu.memory_space<vmem>>) target_semaphore(%run_scoped3A : memref<!tpu.dma_semaphore, #tpu.memory_space<semaphore_mem>>)
      tpu.wait_dma2 semaphore(%run_scoped3A : memref<!tpu.dma_semaphore, #tpu.memory_space<semaphore_mem>>) src(%arg4 : memref<2528xi32, #tpu.memory_space<hbm>>) dst(%arg8 : memref<2528xi32, #tpu.memory_space<vmem>>)
      tpu.yield
    }) : () -> ()
    "tpu.region"() ({
      %run_scoped3A = tpu.sem_alloc : memref<!tpu.dma_semaphore, #tpu.memory_space<semaphore_mem>>
      tpu.enqueue_dma source(%arg5 : memref<2528xi32, #tpu.memory_space<hbm>>) target(%arg9 : memref<2528xi32, #tpu.memory_space<vmem>>) target_semaphore(%run_scoped3A : memref<!tpu.dma_semaphore, #tpu.memory_space<semaphore_mem>>)
      tpu.wait_dma2 semaphore(%run_scoped3A : memref<!tpu.dma_semaphore, #tpu.memory_space<semaphore_mem>>) src(%arg5 : memref<2528xi32, #tpu.memory_space<hbm>>) dst(%arg9 : memref<2528xi32, #tpu.memory_space<vmem>>)
      tpu.yield
    }) : () -> ()
    %mul3A_5 = arith.constant 128 : i32
    %mul3A_6 = arith.muli %arg1, %mul3A_5 : i32
    "tpu.region"() ({
      %run_scoped3A = tpu.sem_alloc : memref<!tpu.dma_semaphore, #tpu.memory_space<semaphore_mem>>
      %dma_start3A_78 = arith.constant 0 : i32
      %dma_start3A_79 = tpu.memref_slice %arg14[%mul3A_6, %dma_start3A_78] : memref<2049x32xf32, #tpu.memory_space<vmem_shared>> -> memref<128x32xf32, #tpu.memory_space<vmem_shared>>
      %dma_start3A_80 = arith.constant 0 : i32
      %dma_start3A_81 = tpu.memref_slice %arg3[%mul3A_6, %dma_start3A_80] : memref<2049x32xf32, #tpu.memory_space<hbm>> -> memref<128x32xf32, #tpu.memory_space<hbm>>
      tpu.enqueue_dma source(%dma_start3A_81 : memref<128x32xf32, #tpu.memory_space<hbm>>) target(%dma_start3A_79 : memref<128x32xf32, #tpu.memory_space<vmem_shared>>) target_semaphore(%run_scoped3A : memref<!tpu.dma_semaphore, #tpu.memory_space<semaphore_mem>>)
      %dma_wait3A_82 = arith.constant 0 : i32
      %dma_wait3A_83 = tpu.memref_slice %arg14[%mul3A_6, %dma_wait3A_82] : memref<2049x32xf32, #tpu.memory_space<vmem_shared>> -> memref<128x32xf32, #tpu.memory_space<vmem_shared>>
      %dma_wait3A_84 = arith.constant 0 : i32
      %dma_wait3A_85 = tpu.memref_slice %arg3[%mul3A_6, %dma_wait3A_84] : memref<2049x32xf32, #tpu.memory_space<hbm>> -> memref<128x32xf32, #tpu.memory_space<hbm>>
      tpu.wait_dma2 semaphore(%run_scoped3A : memref<!tpu.dma_semaphore, #tpu.memory_space<semaphore_mem>>) src(%dma_wait3A_85 : memref<128x32xf32, #tpu.memory_space<hbm>>) dst(%dma_wait3A_83 : memref<128x32xf32, #tpu.memory_space<vmem_shared>>)
      tpu.yield
    }) : () -> ()
    %eq3A = arith.constant 15 : i32
    %eq3A_7 = arith.cmpi eq, %arg1, %eq3A : i32
    %convert_element_type3A = arith.extui %eq3A_7 : i1 to i32
    %cond3A = arith.constant 0 : i32
    %cond3A_8 = arith.cmpi ne, %convert_element_type3A, %cond3A : i32
    scf.if %cond3A_8 {
      "tpu.region"() ({
        %run_scoped3A = tpu.sem_alloc : memref<!tpu.dma_semaphore, #tpu.memory_space<semaphore_mem>>
        %dma_start3A_78 = arith.constant 2048 : i32
        %dma_start3A_79 = arith.constant 0 : i32
        %dma_start3A_80 = tpu.memref_slice %arg14[%dma_start3A_78, %dma_start3A_79] : memref<2049x32xf32, #tpu.memory_space<vmem_shared>> -> memref<1x32xf32, #tpu.memory_space<vmem_shared>>
        %dma_start3A_81 = arith.constant 2048 : i32
        %dma_start3A_82 = arith.constant 0 : i32
        %dma_start3A_83 = tpu.memref_slice %arg3[%dma_start3A_81, %dma_start3A_82] : memref<2049x32xf32, #tpu.memory_space<hbm>> -> memref<1x32xf32, #tpu.memory_space<hbm>>
        tpu.enqueue_dma source(%dma_start3A_83 : memref<1x32xf32, #tpu.memory_space<hbm>>) target(%dma_start3A_80 : memref<1x32xf32, #tpu.memory_space<vmem_shared>>) target_semaphore(%run_scoped3A : memref<!tpu.dma_semaphore, #tpu.memory_space<semaphore_mem>>)
        %dma_wait3A_84 = arith.constant 2048 : i32
        %dma_wait3A_85 = arith.constant 0 : i32
        %dma_wait3A_86 = tpu.memref_slice %arg14[%dma_wait3A_84, %dma_wait3A_85] : memref<2049x32xf32, #tpu.memory_space<vmem_shared>> -> memref<1x32xf32, #tpu.memory_space<vmem_shared>>
        %dma_wait3A_87 = arith.constant 2048 : i32
        %dma_wait3A_88 = arith.constant 0 : i32
        %dma_wait3A_89 = tpu.memref_slice %arg3[%dma_wait3A_87, %dma_wait3A_88] : memref<2049x32xf32, #tpu.memory_space<hbm>> -> memref<1x32xf32, #tpu.memory_space<hbm>>
        tpu.wait_dma2 semaphore(%run_scoped3A : memref<!tpu.dma_semaphore, #tpu.memory_space<semaphore_mem>>) src(%dma_wait3A_89 : memref<1x32xf32, #tpu.memory_space<hbm>>) dst(%dma_wait3A_86 : memref<1x32xf32, #tpu.memory_space<vmem_shared>>)
        tpu.yield
      }) : () -> ()
    } else {
    }
    %barrier3A = arith.constant 0 : index
    tpu.barrier barrier_id(%barrier3A)
    %scan3A = arith.constant 0 : i32
    %scan3A_9 = arith.constant 0 : i32
    %scan3A_10 = arith.constant 156 : i32
    %scan3A_11 = arith.addi %scan3A_9, %scan3A_10 : i32
    %scan3A_12 = arith.constant 4 : i32
    scf.for %scan3A_78 = %scan3A_9 to %scan3A_11 step %scan3A_12  : i32 {
      %mul3A_79 = arith.constant 16 : i32
      %mul3A_80 = arith.muli %scan3A_78, %mul3A_79 : i32
      %get3A_81 = arith.index_cast %mul3A_80 : i32 to index
      %get3A_82 = tpu.vector_load %arg8[%get3A_81] {strides = array<i32>} : memref<2528xi32, #tpu.memory_space<vmem>>, vector<16xi32>,
      %get3A_83 = arith.index_cast %mul3A_80 : i32 to index
      %get3A_84 = tpu.vector_load %arg9[%get3A_83] {strides = array<i32>} : memref<2528xi32, #tpu.memory_space<vmem>>, vector<16xi32>,
      %add3A_85 = arith.constant 0 : i32
      %add3A_86 = vector.broadcast %add3A_85 : i32 to vector<16xi32>
      %add3A_87 = arith.addi %get3A_82, %add3A_86 : vector<16xi32>
      %gather3A_88 = tpu.vector_load_idx %arg7[%add3A_87] : memref<1600xi32, #tpu.memory_space<vmem>>[vector<16xi32>], vector<16xi32>,
      %add3A_89 = arith.constant 0 : i32
      %add3A_90 = vector.broadcast %add3A_89 : i32 to vector<16xi32>
      %add3A_91 = arith.addi %get3A_84, %add3A_90 : vector<16xi32>
      %gather3A_92 = tpu.vector_load_idx %arg7[%add3A_91] : memref<1600xi32, #tpu.memory_space<vmem>>[vector<16xi32>], vector<16xi32>,
      %sub3A_93 = arith.subi %gather3A_88, %gather3A_92 : vector<16xi32>
      %abs3A_94 = math.absi %sub3A_93 : vector<16xi32>
      %min3A_95 = arith.constant 2048 : i32
      %min3A_96 = vector.broadcast %min3A_95 : i32 to vector<16xi32>
      %min3A_97 = arith.minsi %abs3A_94, %min3A_96 : vector<16xi32>
      %swap3A_98 = arith.index_cast %mul3A_80 : i32 to index
      %swap3A_99 = tpu.vector_load %arg10[%swap3A_98] {strides = array<i32>} : memref<2528xi32, #tpu.memory_space<vmem>>, vector<16xi32>,
      tpu.vector_store %arg10[%swap3A_98], %min3A_97 {strides = array<i32>} : memref<2528xi32, #tpu.memory_space<vmem>>, vector<16xi32>,
      %scan3A_100 = arith.constant 1 : i32
      %scan3A_101 = arith.addi %scan3A_78, %scan3A_100 : i32
      %mul3A_102 = arith.constant 16 : i32
      %mul3A_103 = arith.muli %scan3A_101, %mul3A_102 : i32
      %get3A_104 = arith.index_cast %mul3A_103 : i32 to index
      %get3A_105 = tpu.vector_load %arg8[%get3A_104] {strides = array<i32>} : memref<2528xi32, #tpu.memory_space<vmem>>, vector<16xi32>,
      %get3A_106 = arith.index_cast %mul3A_103 : i32 to index
      %get3A_107 = tpu.vector_load %arg9[%get3A_106] {strides = array<i32>} : memref<2528xi32, #tpu.memory_space<vmem>>, vector<16xi32>,
      %add3A_108 = arith.constant 0 : i32
      %add3A_109 = vector.broadcast %add3A_108 : i32 to vector<16xi32>
      %add3A_110 = arith.addi %get3A_105, %add3A_109 : vector<16xi32>
      %gather3A_111 = tpu.vector_load_idx %arg7[%add3A_110] : memref<1600xi32, #tpu.memory_space<vmem>>[vector<16xi32>], vector<16xi32>,
      %add3A_112 = arith.constant 0 : i32
      %add3A_113 = vector.broadcast %add3A_112 : i32 to vector<16xi32>
      %add3A_114 = arith.addi %get3A_107, %add3A_113 : vector<16xi32>
      %gather3A_115 = tpu.vector_load_idx %arg7[%add3A_114] : memref<1600xi32, #tpu.memory_space<vmem>>[vector<16xi32>], vector<16xi32>,
      %sub3A_116 = arith.subi %gather3A_111, %gather3A_115 : vector<16xi32>
      %abs3A_117 = math.absi %sub3A_116 : vector<16xi32>
      %min3A_118 = arith.constant 2048 : i32
      %min3A_119 = vector.broadcast %min3A_118 : i32 to vector<16xi32>
      %min3A_120 = arith.minsi %abs3A_117, %min3A_119 : vector<16xi32>
      %swap3A_121 = arith.index_cast %mul3A_103 : i32 to index
      %swap3A_122 = tpu.vector_load %arg10[%swap3A_121] {strides = array<i32>} : memref<2528xi32, #tpu.memory_space<vmem>>, vector<16xi32>,
      tpu.vector_store %arg10[%swap3A_121], %min3A_120 {strides = array<i32>} : memref<2528xi32, #tpu.memory_space<vmem>>, vector<16xi32>,
      %scan3A_123 = arith.constant 2 : i32
      %scan3A_124 = arith.addi %scan3A_78, %scan3A_123 : i32
      %mul3A_125 = arith.constant 16 : i32
      %mul3A_126 = arith.muli %scan3A_124, %mul3A_125 : i32
      %get3A_127 = arith.index_cast %mul3A_126 : i32 to index
      %get3A_128 = tpu.vector_load %arg8[%get3A_127] {strides = array<i32>} : memref<2528xi32, #tpu.memory_space<vmem>>, vector<16xi32>,
      %get3A_129 = arith.index_cast %mul3A_126 : i32 to index
      %get3A_130 = tpu.vector_load %arg9[%get3A_129] {strides = array<i32>} : memref<2528xi32, #tpu.memory_space<vmem>>, vector<16xi32>,
      %add3A_131 = arith.constant 0 : i32
      %add3A_132 = vector.broadcast %add3A_131 : i32 to vector<16xi32>
      %add3A_133 = arith.addi %get3A_128, %add3A_132 : vector<16xi32>
      %gather3A_134 = tpu.vector_load_idx %arg7[%add3A_133] : memref<1600xi32, #tpu.memory_space<vmem>>[vector<16xi32>], vector<16xi32>,
      %add3A_135 = arith.constant 0 : i32
      %add3A_136 = vector.broadcast %add3A_135 : i32 to vector<16xi32>
      %add3A_137 = arith.addi %get3A_130, %add3A_136 : vector<16xi32>
      %gather3A_138 = tpu.vector_load_idx %arg7[%add3A_137] : memref<1600xi32, #tpu.memory_space<vmem>>[vector<16xi32>], vector<16xi32>,
      %sub3A_139 = arith.subi %gather3A_134, %gather3A_138 : vector<16xi32>
      %abs3A_140 = math.absi %sub3A_139 : vector<16xi32>
      %min3A_141 = arith.constant 2048 : i32
      %min3A_142 = vector.broadcast %min3A_141 : i32 to vector<16xi32>
      %min3A_143 = arith.minsi %abs3A_140, %min3A_142 : vector<16xi32>
      %swap3A_144 = arith.index_cast %mul3A_126 : i32 to index
      %swap3A_145 = tpu.vector_load %arg10[%swap3A_144] {strides = array<i32>} : memref<2528xi32, #tpu.memory_space<vmem>>, vector<16xi32>,
      tpu.vector_store %arg10[%swap3A_144], %min3A_143 {strides = array<i32>} : memref<2528xi32, #tpu.memory_space<vmem>>, vector<16xi32>,
      %scan3A_146 = arith.constant 3 : i32
      %scan3A_147 = arith.addi %scan3A_78, %scan3A_146 : i32
      %mul3A_148 = arith.constant 16 : i32
      %mul3A_149 = arith.muli %scan3A_147, %mul3A_148 : i32
      %get3A_150 = arith.index_cast %mul3A_149 : i32 to index
      %get3A_151 = tpu.vector_load %arg8[%get3A_150] {strides = array<i32>} : memref<2528xi32, #tpu.memory_space<vmem>>, vector<16xi32>,
      %get3A_152 = arith.index_cast %mul3A_149 : i32 to index
      %get3A_153 = tpu.vector_load %arg9[%get3A_152] {strides = array<i32>} : memref<2528xi32, #tpu.memory_space<vmem>>, vector<16xi32>,
      %add3A_154 = arith.constant 0 : i32
      %add3A_155 = vector.broadcast %add3A_154 : i32 to vector<16xi32>
      %add3A_156 = arith.addi %get3A_151, %add3A_155 : vector<16xi32>
      %gather3A_157 = tpu.vector_load_idx %arg7[%add3A_156] : memref<1600xi32, #tpu.memory_space<vmem>>[vector<16xi32>], vector<16xi32>,
      %add3A_158 = arith.constant 0 : i32
      %add3A_159 = vector.broadcast %add3A_158 : i32 to vector<16xi32>
      %add3A_160 = arith.addi %get3A_153, %add3A_159 : vector<16xi32>
      %gather3A_161 = tpu.vector_load_idx %arg7[%add3A_160] : memref<1600xi32, #tpu.memory_space<vmem>>[vector<16xi32>], vector<16xi32>,
      %sub3A_162 = arith.subi %gather3A_157, %gather3A_161 : vector<16xi32>
      %abs3A_163 = math.absi %sub3A_162 : vector<16xi32>
      %min3A_164 = arith.constant 2048 : i32
      %min3A_165 = vector.broadcast %min3A_164 : i32 to vector<16xi32>
      %min3A_166 = arith.minsi %abs3A_163, %min3A_165 : vector<16xi32>
      %swap3A_167 = arith.index_cast %mul3A_149 : i32 to index
      %swap3A_168 = tpu.vector_load %arg10[%swap3A_167] {strides = array<i32>} : memref<2528xi32, #tpu.memory_space<vmem>>, vector<16xi32>,
      tpu.vector_store %arg10[%swap3A_167], %min3A_166 {strides = array<i32>} : memref<2528xi32, #tpu.memory_space<vmem>>, vector<16xi32>,
    }
    %scan3A_13 = arith.constant 156 : i32
    %scan3A_14 = arith.addi %scan3A_9, %scan3A_13 : i32
    %mul3A_15 = arith.constant 16 : i32
    %mul3A_16 = arith.muli %scan3A_14, %mul3A_15 : i32
    %get3A = arith.index_cast %mul3A_16 : i32 to index
    %get3A_17 = tpu.vector_load %arg8[%get3A] {strides = array<i32>} : memref<2528xi32, #tpu.memory_space<vmem>>, vector<16xi32>,
    %get3A_18 = arith.index_cast %mul3A_16 : i32 to index
    %get3A_19 = tpu.vector_load %arg9[%get3A_18] {strides = array<i32>} : memref<2528xi32, #tpu.memory_space<vmem>>, vector<16xi32>,
    %add3A_20 = arith.constant 0 : i32
    %add3A_21 = vector.broadcast %add3A_20 : i32 to vector<16xi32>
    %add3A_22 = arith.addi %get3A_17, %add3A_21 : vector<16xi32>
    %gather3A = tpu.vector_load_idx %arg7[%add3A_22] : memref<1600xi32, #tpu.memory_space<vmem>>[vector<16xi32>], vector<16xi32>,
    %add3A_23 = arith.constant 0 : i32
    %add3A_24 = vector.broadcast %add3A_23 : i32 to vector<16xi32>
    %add3A_25 = arith.addi %get3A_19, %add3A_24 : vector<16xi32>
    %gather3A_26 = tpu.vector_load_idx %arg7[%add3A_25] : memref<1600xi32, #tpu.memory_space<vmem>>[vector<16xi32>], vector<16xi32>,
    %sub3A = arith.subi %gather3A, %gather3A_26 : vector<16xi32>
    %abs3A = math.absi %sub3A : vector<16xi32>
    %min3A = arith.constant 2048 : i32
    %min3A_27 = vector.broadcast %min3A : i32 to vector<16xi32>
    %min3A_28 = arith.minsi %abs3A, %min3A_27 : vector<16xi32>
    %swap3A = arith.index_cast %mul3A_16 : i32 to index
    %swap3A_29 = tpu.vector_load %arg10[%swap3A] {strides = array<i32>} : memref<2528xi32, #tpu.memory_space<vmem>>, vector<16xi32>,
    tpu.vector_store %arg10[%swap3A], %min3A_28 {strides = array<i32>} : memref<2528xi32, #tpu.memory_space<vmem>>, vector<16xi32>,
    %scan3A_30 = arith.constant 157 : i32
    %scan3A_31 = arith.addi %scan3A_9, %scan3A_30 : i32
    %mul3A_32 = arith.constant 16 : i32
    %mul3A_33 = arith.muli %scan3A_31, %mul3A_32 : i32
    %get3A_34 = arith.index_cast %mul3A_33 : i32 to index
    %get3A_35 = tpu.vector_load %arg8[%get3A_34] {strides = array<i32>} : memref<2528xi32, #tpu.memory_space<vmem>>, vector<16xi32>,
    %get3A_36 = arith.index_cast %mul3A_33 : i32 to index
    %get3A_37 = tpu.vector_load %arg9[%get3A_36] {strides = array<i32>} : memref<2528xi32, #tpu.memory_space<vmem>>, vector<16xi32>,
    %add3A_38 = arith.constant 0 : i32
    %add3A_39 = vector.broadcast %add3A_38 : i32 to vector<16xi32>
    %add3A_40 = arith.addi %get3A_35, %add3A_39 : vector<16xi32>
    %gather3A_41 = tpu.vector_load_idx %arg7[%add3A_40] : memref<1600xi32, #tpu.memory_space<vmem>>[vector<16xi32>], vector<16xi32>,
    %add3A_42 = arith.constant 0 : i32
    %add3A_43 = vector.broadcast %add3A_42 : i32 to vector<16xi32>
    %add3A_44 = arith.addi %get3A_37, %add3A_43 : vector<16xi32>
    %gather3A_45 = tpu.vector_load_idx %arg7[%add3A_44] : memref<1600xi32, #tpu.memory_space<vmem>>[vector<16xi32>], vector<16xi32>,
    %sub3A_46 = arith.subi %gather3A_41, %gather3A_45 : vector<16xi32>
    %abs3A_47 = math.absi %sub3A_46 : vector<16xi32>
    %min3A_48 = arith.constant 2048 : i32
    %min3A_49 = vector.broadcast %min3A_48 : i32 to vector<16xi32>
    %min3A_50 = arith.minsi %abs3A_47, %min3A_49 : vector<16xi32>
    %swap3A_51 = arith.index_cast %mul3A_33 : i32 to index
    %swap3A_52 = tpu.vector_load %arg10[%swap3A_51] {strides = array<i32>} : memref<2528xi32, #tpu.memory_space<vmem>>, vector<16xi32>,
    tpu.vector_store %arg10[%swap3A_51], %min3A_50 {strides = array<i32>} : memref<2528xi32, #tpu.memory_space<vmem>>, vector<16xi32>,
    %scan3A_53 = arith.constant 158 : i32
    %dma_start3A = arith.constant 0 : i32
    %dma_start3A_54 = tpu.memref_slice %arg10[%dma_start3A] : memref<2528xi32, #tpu.memory_space<vmem>> -> memref<1264xi32, #tpu.memory_space<vmem>>
    %dma_start3A_55 = arith.constant 0 : i32
    %dma_start3A_56 = arith.constant 0 : i32
    %dma_start3A_57 = tpu.memref_slice %arg14[%dma_start3A_55, %dma_start3A_56] : memref<2049x32xf32, #tpu.memory_space<vmem_shared>> -> memref<2049x32xf32, #tpu.memory_space<vmem_shared>>
    tpu.enqueue_indirect_dma source(%dma_start3A_57 : memref<2049x32xf32, #tpu.memory_space<vmem_shared>>) target(%arg12 : memref<1264x32xf32, #tpu.memory_space<vmem>>) offsets(%dma_start3A_54 : memref<1264xi32, #tpu.memory_space<vmem>>) semaphore(%arg15 : memref<!tpu.dma_semaphore, #tpu.memory_space<semaphore_mem>>)
    %dma_start3A_58 = arith.constant 1264 : i32
    %dma_start3A_59 = tpu.memref_slice %arg10[%dma_start3A_58] : memref<2528xi32, #tpu.memory_space<vmem>> -> memref<1236xi32, #tpu.memory_space<vmem>>
    %dma_start3A_60 = arith.constant 0 : i32
    %dma_start3A_61 = arith.constant 0 : i32
    %dma_start3A_62 = tpu.memref_slice %arg14[%dma_start3A_60, %dma_start3A_61] : memref<2049x32xf32, #tpu.memory_space<vmem_shared>> -> memref<2049x32xf32, #tpu.memory_space<vmem_shared>>
    tpu.enqueue_indirect_dma source(%dma_start3A_62 : memref<2049x32xf32, #tpu.memory_space<vmem_shared>>) target(%arg13 : memref<1236x32xf32, #tpu.memory_space<vmem>>) offsets(%dma_start3A_59 : memref<1236xi32, #tpu.memory_space<vmem>>) semaphore(%arg16 : memref<!tpu.dma_semaphore, #tpu.memory_space<semaphore_mem>>)
    %scan3A_63 = arith.constant 0 : i32
    %scan3A_64 = arith.constant 0 : i32
    %scan3A_65 = arith.constant 16 : i32
    %scan3A_66 = arith.addi %scan3A_64, %scan3A_65 : i32
    %scan3A_67 = arith.constant 1 : i32
    scf.for %scan3A_78 = %scan3A_64 to %scan3A_66 step %scan3A_67  : i32 {
      %mul3A_79 = arith.constant 2 : i32
      %mul3A_80 = arith.muli %mul3A_79, %scan3A_78 : i32
      %mul3A_81 = arith.constant 2 : i32
      %mul3A_82 = arith.muli %mul3A_81, %scan3A_78 : i32
      %add3A_83 = arith.constant 1 : i32
      %add3A_84 = arith.addi %mul3A_82, %add3A_83 : i32
      %add3A_85 = arith.constant 1 : i32
      %add3A_86 = arith.addi %add3A_84, %add3A_85 : i32
      %rem3A = arith.constant 32 : i32
      %rem3A_87 = arith.remsi %add3A_86, %rem3A : i32
      %mul3A_88 = arith.constant 50 : i32
      %mul3A_89 = arith.muli %add3A_84, %mul3A_88 : i32
      %scan3A_90 = arith.constant 0 : i32
      %scan3A_91 = arith.constant 0 : i32
      %scan3A_92 = arith.constant 156 : i32
      %scan3A_93 = arith.addi %scan3A_91, %scan3A_92 : i32
      %scan3A_94 = arith.constant 4 : i32
      scf.for %scan3A_300 = %scan3A_91 to %scan3A_93 step %scan3A_94  : i32 {
        %mul3A_301 = arith.constant 16 : i32
        %mul3A_302 = arith.muli %scan3A_300, %mul3A_301 : i32
        %get3A_303 = arith.index_cast %mul3A_302 : i32 to index
        %get3A_304 = tpu.vector_load %arg8[%get3A_303] {strides = array<i32>} : memref<2528xi32, #tpu.memory_space<vmem>>, vector<16xi32>,
        %get3A_305 = arith.index_cast %mul3A_302 : i32 to index
        %get3A_306 = tpu.vector_load %arg9[%get3A_305] {strides = array<i32>} : memref<2528xi32, #tpu.memory_space<vmem>>, vector<16xi32>,
        %add3A_307 = vector.broadcast %mul3A_89 : i32 to vector<16xi32>
        %add3A_308 = arith.addi %get3A_304, %add3A_307 : vector<16xi32>
        %gather3A_309 = tpu.vector_load_idx %arg7[%add3A_308] : memref<1600xi32, #tpu.memory_space<vmem>>[vector<16xi32>], vector<16xi32>,
        %add3A_310 = vector.broadcast %mul3A_89 : i32 to vector<16xi32>
        %add3A_311 = arith.addi %get3A_306, %add3A_310 : vector<16xi32>
        %gather3A_312 = tpu.vector_load_idx %arg7[%add3A_311] : memref<1600xi32, #tpu.memory_space<vmem>>[vector<16xi32>], vector<16xi32>,
        %sub3A_313 = arith.subi %gather3A_309, %gather3A_312 : vector<16xi32>
        %abs3A_314 = math.absi %sub3A_313 : vector<16xi32>
        %min3A_315 = arith.constant 2048 : i32
        %min3A_316 = vector.broadcast %min3A_315 : i32 to vector<16xi32>
        %min3A_317 = arith.minsi %abs3A_314, %min3A_316 : vector<16xi32>
        %swap3A_318 = arith.index_cast %mul3A_302 : i32 to index
        %swap3A_319 = tpu.vector_load %arg11[%swap3A_318] {strides = array<i32>} : memref<2528xi32, #tpu.memory_space<vmem>>, vector<16xi32>,
        tpu.vector_store %arg11[%swap3A_318], %min3A_317 {strides = array<i32>} : memref<2528xi32, #tpu.memory_space<vmem>>, vector<16xi32>,
        %scan3A_320 = arith.constant 1 : i32
        %scan3A_321 = arith.addi %scan3A_300, %scan3A_320 : i32
        %mul3A_322 = arith.constant 16 : i32
        %mul3A_323 = arith.muli %scan3A_321, %mul3A_322 : i32
        %get3A_324 = arith.index_cast %mul3A_323 : i32 to index
        %get3A_325 = tpu.vector_load %arg8[%get3A_324] {strides = array<i32>} : memref<2528xi32, #tpu.memory_space<vmem>>, vector<16xi32>,
        %get3A_326 = arith.index_cast %mul3A_323 : i32 to index
        %get3A_327 = tpu.vector_load %arg9[%get3A_326] {strides = array<i32>} : memref<2528xi32, #tpu.memory_space<vmem>>, vector<16xi32>,
        %add3A_328 = vector.broadcast %mul3A_89 : i32 to vector<16xi32>
        %add3A_329 = arith.addi %get3A_325, %add3A_328 : vector<16xi32>
        %gather3A_330 = tpu.vector_load_idx %arg7[%add3A_329] : memref<1600xi32, #tpu.memory_space<vmem>>[vector<16xi32>], vector<16xi32>,
        %add3A_331 = vector.broadcast %mul3A_89 : i32 to vector<16xi32>
        %add3A_332 = arith.addi %get3A_327, %add3A_331 : vector<16xi32>
        %gather3A_333 = tpu.vector_load_idx %arg7[%add3A_332] : memref<1600xi32, #tpu.memory_space<vmem>>[vector<16xi32>], vector<16xi32>,
        %sub3A_334 = arith.subi %gather3A_330, %gather3A_333 : vector<16xi32>
        %abs3A_335 = math.absi %sub3A_334 : vector<16xi32>
        %min3A_336 = arith.constant 2048 : i32
        %min3A_337 = vector.broadcast %min3A_336 : i32 to vector<16xi32>
        %min3A_338 = arith.minsi %abs3A_335, %min3A_337 : vector<16xi32>
        %swap3A_339 = arith.index_cast %mul3A_323 : i32 to index
        %swap3A_340 = tpu.vector_load %arg11[%swap3A_339] {strides = array<i32>} : memref<2528xi32, #tpu.memory_space<vmem>>, vector<16xi32>,
        tpu.vector_store %arg11[%swap3A_339], %min3A_338 {strides = array<i32>} : memref<2528xi32, #tpu.memory_space<vmem>>, vector<16xi32>,
        %scan3A_341 = arith.constant 2 : i32
        %scan3A_342 = arith.addi %scan3A_300, %scan3A_341 : i32
        %mul3A_343 = arith.constant 16 : i32
        %mul3A_344 = arith.muli %scan3A_342, %mul3A_343 : i32
        %get3A_345 = arith.index_cast %mul3A_344 : i32 to index
        %get3A_346 = tpu.vector_load %arg8[%get3A_345] {strides = array<i32>} : memref<2528xi32, #tpu.memory_space<vmem>>, vector<16xi32>,
        %get3A_347 = arith.index_cast %mul3A_344 : i32 to index
        %get3A_348 = tpu.vector_load %arg9[%get3A_347] {strides = array<i32>} : memref<2528xi32, #tpu.memory_space<vmem>>, vector<16xi32>,
        %add3A_349 = vector.broadcast %mul3A_89 : i32 to vector<16xi32>
        %add3A_350 = arith.addi %get3A_346, %add3A_349 : vector<16xi32>
        %gather3A_351 = tpu.vector_load_idx %arg7[%add3A_350] : memref<1600xi32, #tpu.memory_space<vmem>>[vector<16xi32>], vector<16xi32>,
        %add3A_352 = vector.broadcast %mul3A_89 : i32 to vector<16xi32>
        %add3A_353 = arith.addi %get3A_348, %add3A_352 : vector<16xi32>
        %gather3A_354 = tpu.vector_load_idx %arg7[%add3A_353] : memref<1600xi32, #tpu.memory_space<vmem>>[vector<16xi32>], vector<16xi32>,
        %sub3A_355 = arith.subi %gather3A_351, %gather3A_354 : vector<16xi32>
        %abs3A_356 = math.absi %sub3A_355 : vector<16xi32>
        %min3A_357 = arith.constant 2048 : i32
        %min3A_358 = vector.broadcast %min3A_357 : i32 to vector<16xi32>
        %min3A_359 = arith.minsi %abs3A_356, %min3A_358 : vector<16xi32>
        %swap3A_360 = arith.index_cast %mul3A_344 : i32 to index
        %swap3A_361 = tpu.vector_load %arg11[%swap3A_360] {strides = array<i32>} : memref<2528xi32, #tpu.memory_space<vmem>>, vector<16xi32>,
        tpu.vector_store %arg11[%swap3A_360], %min3A_359 {strides = array<i32>} : memref<2528xi32, #tpu.memory_space<vmem>>, vector<16xi32>,
        %scan3A_362 = arith.constant 3 : i32
        %scan3A_363 = arith.addi %scan3A_300, %scan3A_362 : i32
        %mul3A_364 = arith.constant 16 : i32
        %mul3A_365 = arith.muli %scan3A_363, %mul3A_364 : i32
        %get3A_366 = arith.index_cast %mul3A_365 : i32 to index
        %get3A_367 = tpu.vector_load %arg8[%get3A_366] {strides = array<i32>} : memref<2528xi32, #tpu.memory_space<vmem>>, vector<16xi32>,
        %get3A_368 = arith.index_cast %mul3A_365 : i32 to index
        %get3A_369 = tpu.vector_load %arg9[%get3A_368] {strides = array<i32>} : memref<2528xi32, #tpu.memory_space<vmem>>, vector<16xi32>,
        %add3A_370 = vector.broadcast %mul3A_89 : i32 to vector<16xi32>
        %add3A_371 = arith.addi %get3A_367, %add3A_370 : vector<16xi32>
        %gather3A_372 = tpu.vector_load_idx %arg7[%add3A_371] : memref<1600xi32, #tpu.memory_space<vmem>>[vector<16xi32>], vector<16xi32>,
        %add3A_373 = vector.broadcast %mul3A_89 : i32 to vector<16xi32>
        %add3A_374 = arith.addi %get3A_369, %add3A_373 : vector<16xi32>
        %gather3A_375 = tpu.vector_load_idx %arg7[%add3A_374] : memref<1600xi32, #tpu.memory_space<vmem>>[vector<16xi32>], vector<16xi32>,
        %sub3A_376 = arith.subi %gather3A_372, %gather3A_375 : vector<16xi32>
        %abs3A_377 = math.absi %sub3A_376 : vector<16xi32>
        %min3A_378 = arith.constant 2048 : i32
        %min3A_379 = vector.broadcast %min3A_378 : i32 to vector<16xi32>
        %min3A_380 = arith.minsi %abs3A_377, %min3A_379 : vector<16xi32>
        %swap3A_381 = arith.index_cast %mul3A_365 : i32 to index
        %swap3A_382 = tpu.vector_load %arg11[%swap3A_381] {strides = array<i32>} : memref<2528xi32, #tpu.memory_space<vmem>>, vector<16xi32>,
        tpu.vector_store %arg11[%swap3A_381], %min3A_380 {strides = array<i32>} : memref<2528xi32, #tpu.memory_space<vmem>>, vector<16xi32>,
      }
      %scan3A_95 = arith.constant 156 : i32
      %scan3A_96 = arith.addi %scan3A_91, %scan3A_95 : i32
      %mul3A_97 = arith.constant 16 : i32
      %mul3A_98 = arith.muli %scan3A_96, %mul3A_97 : i32
      %get3A_99 = arith.index_cast %mul3A_98 : i32 to index
      %get3A_100 = tpu.vector_load %arg8[%get3A_99] {strides = array<i32>} : memref<2528xi32, #tpu.memory_space<vmem>>, vector<16xi32>,
      %get3A_101 = arith.index_cast %mul3A_98 : i32 to index
      %get3A_102 = tpu.vector_load %arg9[%get3A_101] {strides = array<i32>} : memref<2528xi32, #tpu.memory_space<vmem>>, vector<16xi32>,
      %add3A_103 = vector.broadcast %mul3A_89 : i32 to vector<16xi32>
      %add3A_104 = arith.addi %get3A_100, %add3A_103 : vector<16xi32>
      %gather3A_105 = tpu.vector_load_idx %arg7[%add3A_104] : memref<1600xi32, #tpu.memory_space<vmem>>[vector<16xi32>], vector<16xi32>,
      %add3A_106 = vector.broadcast %mul3A_89 : i32 to vector<16xi32>
      %add3A_107 = arith.addi %get3A_102, %add3A_106 : vector<16xi32>
      %gather3A_108 = tpu.vector_load_idx %arg7[%add3A_107] : memref<1600xi32, #tpu.memory_space<vmem>>[vector<16xi32>], vector<16xi32>,
      %sub3A_109 = arith.subi %gather3A_105, %gather3A_108 : vector<16xi32>
      %abs3A_110 = math.absi %sub3A_109 : vector<16xi32>
      %min3A_111 = arith.constant 2048 : i32
      %min3A_112 = vector.broadcast %min3A_111 : i32 to vector<16xi32>
      %min3A_113 = arith.minsi %abs3A_110, %min3A_112 : vector<16xi32>
      %swap3A_114 = arith.index_cast %mul3A_98 : i32 to index
      %swap3A_115 = tpu.vector_load %arg11[%swap3A_114] {strides = array<i32>} : memref<2528xi32, #tpu.memory_space<vmem>>, vector<16xi32>,
      tpu.vector_store %arg11[%swap3A_114], %min3A_113 {strides = array<i32>} : memref<2528xi32, #tpu.memory_space<vmem>>, vector<16xi32>,
      %scan3A_116 = arith.constant 157 : i32
      %scan3A_117 = arith.addi %scan3A_91, %scan3A_116 : i32
      %mul3A_118 = arith.constant 16 : i32
      %mul3A_119 = arith.muli %scan3A_117, %mul3A_118 : i32
      %get3A_120 = arith.index_cast %mul3A_119 : i32 to index
      %get3A_121 = tpu.vector_load %arg8[%get3A_120] {strides = array<i32>} : memref<2528xi32, #tpu.memory_space<vmem>>, vector<16xi32>,
      %get3A_122 = arith.index_cast %mul3A_119 : i32 to index
      %get3A_123 = tpu.vector_load %arg9[%get3A_122] {strides = array<i32>} : memref<2528xi32, #tpu.memory_space<vmem>>, vector<16xi32>,
      %add3A_124 = vector.broadcast %mul3A_89 : i32 to vector<16xi32>
      %add3A_125 = arith.addi %get3A_121, %add3A_124 : vector<16xi32>
      %gather3A_126 = tpu.vector_load_idx %arg7[%add3A_125] : memref<1600xi32, #tpu.memory_space<vmem>>[vector<16xi32>], vector<16xi32>,
      %add3A_127 = vector.broadcast %mul3A_89 : i32 to vector<16xi32>
      %add3A_128 = arith.addi %get3A_123, %add3A_127 : vector<16xi32>
      %gather3A_129 = tpu.vector_load_idx %arg7[%add3A_128] : memref<1600xi32, #tpu.memory_space<vmem>>[vector<16xi32>], vector<16xi32>,
      %sub3A_130 = arith.subi %gather3A_126, %gather3A_129 : vector<16xi32>
      %abs3A_131 = math.absi %sub3A_130 : vector<16xi32>
      %min3A_132 = arith.constant 2048 : i32
      %min3A_133 = vector.broadcast %min3A_132 : i32 to vector<16xi32>
      %min3A_134 = arith.minsi %abs3A_131, %min3A_133 : vector<16xi32>
      %swap3A_135 = arith.index_cast %mul3A_119 : i32 to index
      %swap3A_136 = tpu.vector_load %arg11[%swap3A_135] {strides = array<i32>} : memref<2528xi32, #tpu.memory_space<vmem>>, vector<16xi32>,
      tpu.vector_store %arg11[%swap3A_135], %min3A_134 {strides = array<i32>} : memref<2528xi32, #tpu.memory_space<vmem>>, vector<16xi32>,
      %scan3A_137 = arith.constant 158 : i32
      %dma_wait3A_138 = arith.constant 0 : i32
      %dma_wait3A_139 = tpu.memref_slice %arg10[%dma_wait3A_138] : memref<2528xi32, #tpu.memory_space<vmem>> -> memref<1264xi32, #tpu.memory_space<vmem>>
      %dma_wait3A_140 = arith.constant 0 : i32
      %dma_wait3A_141 = arith.constant 0 : i32
      %dma_wait3A_142 = tpu.memref_slice %arg14[%dma_wait3A_140, %dma_wait3A_141] : memref<2049x32xf32, #tpu.memory_space<vmem_shared>> -> memref<2049x32xf32, #tpu.memory_space<vmem_shared>>
      tpu.wait_indirect_dma semaphore(%arg15 : memref<!tpu.dma_semaphore, #tpu.memory_space<semaphore_mem>>) src(%dma_wait3A_142 : memref<2049x32xf32, #tpu.memory_space<vmem_shared>>) dst(%arg12 : memref<1264x32xf32, #tpu.memory_space<vmem>>)
      %add3A_143 = arith.addi %mul3A_2, %mul3A_80 : i32
      %dma_start3A_144 = arith.constant 0 : i32
      %dma_start3A_145 = arith.constant 0 : i32
      %dma_start3A_146 = tpu.memref_slice %arg6[%add3A_143, %dma_start3A_144, %dma_start3A_145] : memref<1024x2500x32xf32, #tpu.memory_space<hbm>> -> memref<1x1264x32xf32, #tpu.memory_space<hbm>>
      %dma_start3A_147 = tpu.memref_squeeze %dma_start3A_146 : memref<1x1264x32xf32, #tpu.memory_space<hbm>> -> memref<1264x32xf32, #tpu.memory_space<hbm>>
      %dma_start3A_148 = arith.constant 0 : i32
      %dma_start3A_149 = arith.constant 0 : i32
      %dma_start3A_150 = tpu.memref_slice %arg6[%add3A_143, %dma_start3A_148, %dma_start3A_149] : memref<1024x2500x32xf32, #tpu.memory_space<hbm>> -> memref<1x1264x32xf32, #tpu.memory_space<hbm>>
      %dma_start3A_151 = tpu.memref_squeeze %dma_start3A_150 : memref<1x1264x32xf32, #tpu.memory_space<hbm>> -> memref<1264x32xf32, #tpu.memory_space<hbm>>
      tpu.enqueue_dma source(%arg12 : memref<1264x32xf32, #tpu.memory_space<vmem>>) target(%dma_start3A_151 : memref<1264x32xf32, #tpu.memory_space<hbm>>) target_semaphore(%arg17 : memref<!tpu.dma_semaphore, #tpu.memory_space<semaphore_mem>>)
      %dma_wait3A_152 = arith.constant 1264 : i32
      %dma_wait3A_153 = tpu.memref_slice %arg10[%dma_wait3A_152] : memref<2528xi32, #tpu.memory_space<vmem>> -> memref<1236xi32, #tpu.memory_space<vmem>>
      %dma_wait3A_154 = arith.constant 0 : i32
      %dma_wait3A_155 = arith.constant 0 : i32
      %dma_wait3A_156 = tpu.memref_slice %arg14[%dma_wait3A_154, %dma_wait3A_155] : memref<2049x32xf32, #tpu.memory_space<vmem_shared>> -> memref<2049x32xf32, #tpu.memory_space<vmem_shared>>
      tpu.wait_indirect_dma semaphore(%arg16 : memref<!tpu.dma_semaphore, #tpu.memory_space<semaphore_mem>>) src(%dma_wait3A_156 : memref<2049x32xf32, #tpu.memory_space<vmem_shared>>) dst(%arg13 : memref<1236x32xf32, #tpu.memory_space<vmem>>)
      %add3A_157 = arith.addi %mul3A_2, %mul3A_80 : i32
      %dma_start3A_158 = arith.constant 1264 : i32
      %dma_start3A_159 = arith.constant 0 : i32
      %dma_start3A_160 = tpu.memref_slice %arg6[%add3A_157, %dma_start3A_158, %dma_start3A_159] : memref<1024x2500x32xf32, #tpu.memory_space<hbm>> -> memref<1x1236x32xf32, #tpu.memory_space<hbm>>
      %dma_start3A_161 = tpu.memref_squeeze %dma_start3A_160 : memref<1x1236x32xf32, #tpu.memory_space<hbm>> -> memref<1236x32xf32, #tpu.memory_space<hbm>>
      %dma_start3A_162 = arith.constant 1264 : i32
      %dma_start3A_163 = arith.constant 0 : i32
      %dma_start3A_164 = tpu.memref_slice %arg6[%add3A_157, %dma_start3A_162, %dma_start3A_163] : memref<1024x2500x32xf32, #tpu.memory_space<hbm>> -> memref<1x1236x32xf32, #tpu.memory_space<hbm>>
      %dma_start3A_165 = tpu.memref_squeeze %dma_start3A_164 : memref<1x1236x32xf32, #tpu.memory_space<hbm>> -> memref<1236x32xf32, #tpu.memory_space<hbm>>
      tpu.enqueue_dma source(%arg13 : memref<1236x32xf32, #tpu.memory_space<vmem>>) target(%dma_start3A_165 : memref<1236x32xf32, #tpu.memory_space<hbm>>) target_semaphore(%arg18 : memref<!tpu.dma_semaphore, #tpu.memory_space<semaphore_mem>>)
      %add3A_166 = arith.addi %mul3A_2, %mul3A_80 : i32
      %dma_wait3A_167 = arith.constant 0 : i32
      %dma_wait3A_168 = arith.constant 0 : i32
      %dma_wait3A_169 = tpu.memref_slice %arg6[%add3A_166, %dma_wait3A_167, %dma_wait3A_168] : memref<1024x2500x32xf32, #tpu.memory_space<hbm>> -> memref<1x1264x32xf32, #tpu.memory_space<hbm>>
      %dma_wait3A_170 = tpu.memref_squeeze %dma_wait3A_169 : memref<1x1264x32xf32, #tpu.memory_space<hbm>> -> memref<1264x32xf32, #tpu.memory_space<hbm>>
      %dma_wait3A_171 = arith.constant 0 : i32
      %dma_wait3A_172 = arith.constant 0 : i32
      %dma_wait3A_173 = tpu.memref_slice %arg6[%add3A_166, %dma_wait3A_171, %dma_wait3A_172] : memref<1024x2500x32xf32, #tpu.memory_space<hbm>> -> memref<1x1264x32xf32, #tpu.memory_space<hbm>>
      %dma_wait3A_174 = tpu.memref_squeeze %dma_wait3A_173 : memref<1x1264x32xf32, #tpu.memory_space<hbm>> -> memref<1264x32xf32, #tpu.memory_space<hbm>>
      tpu.wait_dma2 semaphore(%arg17 : memref<!tpu.dma_semaphore, #tpu.memory_space<semaphore_mem>>) src(%arg12 : memref<1264x32xf32, #tpu.memory_space<vmem>>) dst(%dma_wait3A_174 : memref<1264x32xf32, #tpu.memory_space<hbm>>)
      %dma_start3A_175 = arith.constant 0 : i32
      %dma_start3A_176 = tpu.memref_slice %arg11[%dma_start3A_175] : memref<2528xi32, #tpu.memory_space<vmem>> -> memref<1264xi32, #tpu.memory_space<vmem>>
      %dma_start3A_177 = arith.constant 0 : i32
      %dma_start3A_178 = arith.constant 0 : i32
      %dma_start3A_179 = tpu.memref_slice %arg14[%dma_start3A_177, %dma_start3A_178] : memref<2049x32xf32, #tpu.memory_space<vmem_shared>> -> memref<2049x32xf32, #tpu.memory_space<vmem_shared>>
      tpu.enqueue_indirect_dma source(%dma_start3A_179 : memref<2049x32xf32, #tpu.memory_space<vmem_shared>>) target(%arg12 : memref<1264x32xf32, #tpu.memory_space<vmem>>) offsets(%dma_start3A_176 : memref<1264xi32, #tpu.memory_space<vmem>>) semaphore(%arg15 : memref<!tpu.dma_semaphore, #tpu.memory_space<semaphore_mem>>)
      %add3A_180 = arith.addi %mul3A_2, %mul3A_80 : i32
      %dma_wait3A_181 = arith.constant 1264 : i32
      %dma_wait3A_182 = arith.constant 0 : i32
      %dma_wait3A_183 = tpu.memref_slice %arg6[%add3A_180, %dma_wait3A_181, %dma_wait3A_182] : memref<1024x2500x32xf32, #tpu.memory_space<hbm>> -> memref<1x1236x32xf32, #tpu.memory_space<hbm>>
      %dma_wait3A_184 = tpu.memref_squeeze %dma_wait3A_183 : memref<1x1236x32xf32, #tpu.memory_space<hbm>> -> memref<1236x32xf32, #tpu.memory_space<hbm>>
      %dma_wait3A_185 = arith.constant 1264 : i32
      %dma_wait3A_186 = arith.constant 0 : i32
      %dma_wait3A_187 = tpu.memref_slice %arg6[%add3A_180, %dma_wait3A_185, %dma_wait3A_186] : memref<1024x2500x32xf32, #tpu.memory_space<hbm>> -> memref<1x1236x32xf32, #tpu.memory_space<hbm>>
      %dma_wait3A_188 = tpu.memref_squeeze %dma_wait3A_187 : memref<1x1236x32xf32, #tpu.memory_space<hbm>> -> memref<1236x32xf32, #tpu.memory_space<hbm>>
      tpu.wait_dma2 semaphore(%arg18 : memref<!tpu.dma_semaphore, #tpu.memory_space<semaphore_mem>>) src(%arg13 : memref<1236x32xf32, #tpu.memory_space<vmem>>) dst(%dma_wait3A_188 : memref<1236x32xf32, #tpu.memory_space<hbm>>)
      %dma_start3A_189 = arith.constant 1264 : i32
      %dma_start3A_190 = tpu.memref_slice %arg11[%dma_start3A_189] : memref<2528xi32, #tpu.memory_space<vmem>> -> memref<1236xi32, #tpu.memory_space<vmem>>
      %dma_start3A_191 = arith.constant 0 : i32
      %dma_start3A_192 = arith.constant 0 : i32
      %dma_start3A_193 = tpu.memref_slice %arg14[%dma_start3A_191, %dma_start3A_192] : memref<2049x32xf32, #tpu.memory_space<vmem_shared>> -> memref<2049x32xf32, #tpu.memory_space<vmem_shared>>
      tpu.enqueue_indirect_dma source(%dma_start3A_193 : memref<2049x32xf32, #tpu.memory_space<vmem_shared>>) target(%arg13 : memref<1236x32xf32, #tpu.memory_space<vmem>>) offsets(%dma_start3A_190 : memref<1236xi32, #tpu.memory_space<vmem>>) semaphore(%arg16 : memref<!tpu.dma_semaphore, #tpu.memory_space<semaphore_mem>>)
      %mul3A_194 = arith.constant 50 : i32
      %mul3A_195 = arith.muli %rem3A_87, %mul3A_194 : i32
      %scan3A_196 = arith.constant 0 : i32
      %scan3A_197 = arith.constant 0 : i32
      %scan3A_198 = arith.constant 156 : i32
      %scan3A_199 = arith.addi %scan3A_197, %scan3A_198 : i32
      %scan3A_200 = arith.constant 4 : i32
      scf.for %scan3A_300 = %scan3A_197 to %scan3A_199 step %scan3A_200  : i32 {
        %mul3A_301 = arith.constant 16 : i32
        %mul3A_302 = arith.muli %scan3A_300, %mul3A_301 : i32
        %get3A_303 = arith.index_cast %mul3A_302 : i32 to index
        %get3A_304 = tpu.vector_load %arg8[%get3A_303] {strides = array<i32>} : memref<2528xi32, #tpu.memory_space<vmem>>, vector<16xi32>,
        %get3A_305 = arith.index_cast %mul3A_302 : i32 to index
        %get3A_306 = tpu.vector_load %arg9[%get3A_305] {strides = array<i32>} : memref<2528xi32, #tpu.memory_space<vmem>>, vector<16xi32>,
        %add3A_307 = vector.broadcast %mul3A_195 : i32 to vector<16xi32>
        %add3A_308 = arith.addi %get3A_304, %add3A_307 : vector<16xi32>
        %gather3A_309 = tpu.vector_load_idx %arg7[%add3A_308] : memref<1600xi32, #tpu.memory_space<vmem>>[vector<16xi32>], vector<16xi32>,
        %add3A_310 = vector.broadcast %mul3A_195 : i32 to vector<16xi32>
        %add3A_311 = arith.addi %get3A_306, %add3A_310 : vector<16xi32>
        %gather3A_312 = tpu.vector_load_idx %arg7[%add3A_311] : memref<1600xi32, #tpu.memory_space<vmem>>[vector<16xi32>], vector<16xi32>,
        %sub3A_313 = arith.subi %gather3A_309, %gather3A_312 : vector<16xi32>
        %abs3A_314 = math.absi %sub3A_313 : vector<16xi32>
        %min3A_315 = arith.constant 2048 : i32
        %min3A_316 = vector.broadcast %min3A_315 : i32 to vector<16xi32>
        %min3A_317 = arith.minsi %abs3A_314, %min3A_316 : vector<16xi32>
        %swap3A_318 = arith.index_cast %mul3A_302 : i32 to index
        %swap3A_319 = tpu.vector_load %arg10[%swap3A_318] {strides = array<i32>} : memref<2528xi32, #tpu.memory_space<vmem>>, vector<16xi32>,
        tpu.vector_store %arg10[%swap3A_318], %min3A_317 {strides = array<i32>} : memref<2528xi32, #tpu.memory_space<vmem>>, vector<16xi32>,
        %scan3A_320 = arith.constant 1 : i32
        %scan3A_321 = arith.addi %scan3A_300, %scan3A_320 : i32
        %mul3A_322 = arith.constant 16 : i32
        %mul3A_323 = arith.muli %scan3A_321, %mul3A_322 : i32
        %get3A_324 = arith.index_cast %mul3A_323 : i32 to index
        %get3A_325 = tpu.vector_load %arg8[%get3A_324] {strides = array<i32>} : memref<2528xi32, #tpu.memory_space<vmem>>, vector<16xi32>,
        %get3A_326 = arith.index_cast %mul3A_323 : i32 to index
        %get3A_327 = tpu.vector_load %arg9[%get3A_326] {strides = array<i32>} : memref<2528xi32, #tpu.memory_space<vmem>>, vector<16xi32>,
        %add3A_328 = vector.broadcast %mul3A_195 : i32 to vector<16xi32>
        %add3A_329 = arith.addi %get3A_325, %add3A_328 : vector<16xi32>
        %gather3A_330 = tpu.vector_load_idx %arg7[%add3A_329] : memref<1600xi32, #tpu.memory_space<vmem>>[vector<16xi32>], vector<16xi32>,
        %add3A_331 = vector.broadcast %mul3A_195 : i32 to vector<16xi32>
        %add3A_332 = arith.addi %get3A_327, %add3A_331 : vector<16xi32>
        %gather3A_333 = tpu.vector_load_idx %arg7[%add3A_332] : memref<1600xi32, #tpu.memory_space<vmem>>[vector<16xi32>], vector<16xi32>,
        %sub3A_334 = arith.subi %gather3A_330, %gather3A_333 : vector<16xi32>
        %abs3A_335 = math.absi %sub3A_334 : vector<16xi32>
        %min3A_336 = arith.constant 2048 : i32
        %min3A_337 = vector.broadcast %min3A_336 : i32 to vector<16xi32>
        %min3A_338 = arith.minsi %abs3A_335, %min3A_337 : vector<16xi32>
        %swap3A_339 = arith.index_cast %mul3A_323 : i32 to index
        %swap3A_340 = tpu.vector_load %arg10[%swap3A_339] {strides = array<i32>} : memref<2528xi32, #tpu.memory_space<vmem>>, vector<16xi32>,
        tpu.vector_store %arg10[%swap3A_339], %min3A_338 {strides = array<i32>} : memref<2528xi32, #tpu.memory_space<vmem>>, vector<16xi32>,
        %scan3A_341 = arith.constant 2 : i32
        %scan3A_342 = arith.addi %scan3A_300, %scan3A_341 : i32
        %mul3A_343 = arith.constant 16 : i32
        %mul3A_344 = arith.muli %scan3A_342, %mul3A_343 : i32
        %get3A_345 = arith.index_cast %mul3A_344 : i32 to index
        %get3A_346 = tpu.vector_load %arg8[%get3A_345] {strides = array<i32>} : memref<2528xi32, #tpu.memory_space<vmem>>, vector<16xi32>,
        %get3A_347 = arith.index_cast %mul3A_344 : i32 to index
        %get3A_348 = tpu.vector_load %arg9[%get3A_347] {strides = array<i32>} : memref<2528xi32, #tpu.memory_space<vmem>>, vector<16xi32>,
        %add3A_349 = vector.broadcast %mul3A_195 : i32 to vector<16xi32>
        %add3A_350 = arith.addi %get3A_346, %add3A_349 : vector<16xi32>
        %gather3A_351 = tpu.vector_load_idx %arg7[%add3A_350] : memref<1600xi32, #tpu.memory_space<vmem>>[vector<16xi32>], vector<16xi32>,
        %add3A_352 = vector.broadcast %mul3A_195 : i32 to vector<16xi32>
        %add3A_353 = arith.addi %get3A_348, %add3A_352 : vector<16xi32>
        %gather3A_354 = tpu.vector_load_idx %arg7[%add3A_353] : memref<1600xi32, #tpu.memory_space<vmem>>[vector<16xi32>], vector<16xi32>,
        %sub3A_355 = arith.subi %gather3A_351, %gather3A_354 : vector<16xi32>
        %abs3A_356 = math.absi %sub3A_355 : vector<16xi32>
        %min3A_357 = arith.constant 2048 : i32
        %min3A_358 = vector.broadcast %min3A_357 : i32 to vector<16xi32>
        %min3A_359 = arith.minsi %abs3A_356, %min3A_358 : vector<16xi32>
        %swap3A_360 = arith.index_cast %mul3A_344 : i32 to index
        %swap3A_361 = tpu.vector_load %arg10[%swap3A_360] {strides = array<i32>} : memref<2528xi32, #tpu.memory_space<vmem>>, vector<16xi32>,
        tpu.vector_store %arg10[%swap3A_360], %min3A_359 {strides = array<i32>} : memref<2528xi32, #tpu.memory_space<vmem>>, vector<16xi32>,
        %scan3A_362 = arith.constant 3 : i32
        %scan3A_363 = arith.addi %scan3A_300, %scan3A_362 : i32
        %mul3A_364 = arith.constant 16 : i32
        %mul3A_365 = arith.muli %scan3A_363, %mul3A_364 : i32
        %get3A_366 = arith.index_cast %mul3A_365 : i32 to index
        %get3A_367 = tpu.vector_load %arg8[%get3A_366] {strides = array<i32>} : memref<2528xi32, #tpu.memory_space<vmem>>, vector<16xi32>,
        %get3A_368 = arith.index_cast %mul3A_365 : i32 to index
        %get3A_369 = tpu.vector_load %arg9[%get3A_368] {strides = array<i32>} : memref<2528xi32, #tpu.memory_space<vmem>>, vector<16xi32>,
        %add3A_370 = vector.broadcast %mul3A_195 : i32 to vector<16xi32>
        %add3A_371 = arith.addi %get3A_367, %add3A_370 : vector<16xi32>
        %gather3A_372 = tpu.vector_load_idx %arg7[%add3A_371] : memref<1600xi32, #tpu.memory_space<vmem>>[vector<16xi32>], vector<16xi32>,
        %add3A_373 = vector.broadcast %mul3A_195 : i32 to vector<16xi32>
        %add3A_374 = arith.addi %get3A_369, %add3A_373 : vector<16xi32>
        %gather3A_375 = tpu.vector_load_idx %arg7[%add3A_374] : memref<1600xi32, #tpu.memory_space<vmem>>[vector<16xi32>], vector<16xi32>,
        %sub3A_376 = arith.subi %gather3A_372, %gather3A_375 : vector<16xi32>
        %abs3A_377 = math.absi %sub3A_376 : vector<16xi32>
        %min3A_378 = arith.constant 2048 : i32
        %min3A_379 = vector.broadcast %min3A_378 : i32 to vector<16xi32>
        %min3A_380 = arith.minsi %abs3A_377, %min3A_379 : vector<16xi32>
        %swap3A_381 = arith.index_cast %mul3A_365 : i32 to index
        %swap3A_382 = tpu.vector_load %arg10[%swap3A_381] {strides = array<i32>} : memref<2528xi32, #tpu.memory_space<vmem>>, vector<16xi32>,
        tpu.vector_store %arg10[%swap3A_381], %min3A_380 {strides = array<i32>} : memref<2528xi32, #tpu.memory_space<vmem>>, vector<16xi32>,
      }
      %scan3A_201 = arith.constant 156 : i32
      %scan3A_202 = arith.addi %scan3A_197, %scan3A_201 : i32
      %mul3A_203 = arith.constant 16 : i32
      %mul3A_204 = arith.muli %scan3A_202, %mul3A_203 : i32
      %get3A_205 = arith.index_cast %mul3A_204 : i32 to index
      %get3A_206 = tpu.vector_load %arg8[%get3A_205] {strides = array<i32>} : memref<2528xi32, #tpu.memory_space<vmem>>, vector<16xi32>,
      %get3A_207 = arith.index_cast %mul3A_204 : i32 to index
      %get3A_208 = tpu.vector_load %arg9[%get3A_207] {strides = array<i32>} : memref<2528xi32, #tpu.memory_space<vmem>>, vector<16xi32>,
      %add3A_209 = vector.broadcast %mul3A_195 : i32 to vector<16xi32>
      %add3A_210 = arith.addi %get3A_206, %add3A_209 : vector<16xi32>
      %gather3A_211 = tpu.vector_load_idx %arg7[%add3A_210] : memref<1600xi32, #tpu.memory_space<vmem>>[vector<16xi32>], vector<16xi32>,
      %add3A_212 = vector.broadcast %mul3A_195 : i32 to vector<16xi32>
      %add3A_213 = arith.addi %get3A_208, %add3A_212 : vector<16xi32>
      %gather3A_214 = tpu.vector_load_idx %arg7[%add3A_213] : memref<1600xi32, #tpu.memory_space<vmem>>[vector<16xi32>], vector<16xi32>,
      %sub3A_215 = arith.subi %gather3A_211, %gather3A_214 : vector<16xi32>
      %abs3A_216 = math.absi %sub3A_215 : vector<16xi32>
      %min3A_217 = arith.constant 2048 : i32
      %min3A_218 = vector.broadcast %min3A_217 : i32 to vector<16xi32>
      %min3A_219 = arith.minsi %abs3A_216, %min3A_218 : vector<16xi32>
      %swap3A_220 = arith.index_cast %mul3A_204 : i32 to index
      %swap3A_221 = tpu.vector_load %arg10[%swap3A_220] {strides = array<i32>} : memref<2528xi32, #tpu.memory_space<vmem>>, vector<16xi32>,
      tpu.vector_store %arg10[%swap3A_220], %min3A_219 {strides = array<i32>} : memref<2528xi32, #tpu.memory_space<vmem>>, vector<16xi32>,
      %scan3A_222 = arith.constant 157 : i32
      %scan3A_223 = arith.addi %scan3A_197, %scan3A_222 : i32
      %mul3A_224 = arith.constant 16 : i32
      %mul3A_225 = arith.muli %scan3A_223, %mul3A_224 : i32
      %get3A_226 = arith.index_cast %mul3A_225 : i32 to index
      %get3A_227 = tpu.vector_load %arg8[%get3A_226] {strides = array<i32>} : memref<2528xi32, #tpu.memory_space<vmem>>, vector<16xi32>,
      %get3A_228 = arith.index_cast %mul3A_225 : i32 to index
      %get3A_229 = tpu.vector_load %arg9[%get3A_228] {strides = array<i32>} : memref<2528xi32, #tpu.memory_space<vmem>>, vector<16xi32>,
      %add3A_230 = vector.broadcast %mul3A_195 : i32 to vector<16xi32>
      %add3A_231 = arith.addi %get3A_227, %add3A_230 : vector<16xi32>
      %gather3A_232 = tpu.vector_load_idx %arg7[%add3A_231] : memref<1600xi32, #tpu.memory_space<vmem>>[vector<16xi32>], vector<16xi32>,
      %add3A_233 = vector.broadcast %mul3A_195 : i32 to vector<16xi32>
      %add3A_234 = arith.addi %get3A_229, %add3A_233 : vector<16xi32>
      %gather3A_235 = tpu.vector_load_idx %arg7[%add3A_234] : memref<1600xi32, #tpu.memory_space<vmem>>[vector<16xi32>], vector<16xi32>,
      %sub3A_236 = arith.subi %gather3A_232, %gather3A_235 : vector<16xi32>
      %abs3A_237 = math.absi %sub3A_236 : vector<16xi32>
      %min3A_238 = arith.constant 2048 : i32
      %min3A_239 = vector.broadcast %min3A_238 : i32 to vector<16xi32>
      %min3A_240 = arith.minsi %abs3A_237, %min3A_239 : vector<16xi32>
      %swap3A_241 = arith.index_cast %mul3A_225 : i32 to index
      %swap3A_242 = tpu.vector_load %arg10[%swap3A_241] {strides = array<i32>} : memref<2528xi32, #tpu.memory_space<vmem>>, vector<16xi32>,
      tpu.vector_store %arg10[%swap3A_241], %min3A_240 {strides = array<i32>} : memref<2528xi32, #tpu.memory_space<vmem>>, vector<16xi32>,
      %scan3A_243 = arith.constant 158 : i32
      %dma_wait3A_244 = arith.constant 0 : i32
      %dma_wait3A_245 = tpu.memref_slice %arg11[%dma_wait3A_244] : memref<2528xi32, #tpu.memory_space<vmem>> -> memref<1264xi32, #tpu.memory_space<vmem>>
      %dma_wait3A_246 = arith.constant 0 : i32
      %dma_wait3A_247 = arith.constant 0 : i32
      %dma_wait3A_248 = tpu.memref_slice %arg14[%dma_wait3A_246, %dma_wait3A_247] : memref<2049x32xf32, #tpu.memory_space<vmem_shared>> -> memref<2049x32xf32, #tpu.memory_space<vmem_shared>>
      tpu.wait_indirect_dma semaphore(%arg15 : memref<!tpu.dma_semaphore, #tpu.memory_space<semaphore_mem>>) src(%dma_wait3A_248 : memref<2049x32xf32, #tpu.memory_space<vmem_shared>>) dst(%arg12 : memref<1264x32xf32, #tpu.memory_space<vmem>>)
      %add3A_249 = arith.addi %mul3A_2, %add3A_84 : i32
      %dma_start3A_250 = arith.constant 0 : i32
      %dma_start3A_251 = arith.constant 0 : i32
      %dma_start3A_252 = tpu.memref_slice %arg6[%add3A_249, %dma_start3A_250, %dma_start3A_251] : memref<1024x2500x32xf32, #tpu.memory_space<hbm>> -> memref<1x1264x32xf32, #tpu.memory_space<hbm>>
      %dma_start3A_253 = tpu.memref_squeeze %dma_start3A_252 : memref<1x1264x32xf32, #tpu.memory_space<hbm>> -> memref<1264x32xf32, #tpu.memory_space<hbm>>
      %dma_start3A_254 = arith.constant 0 : i32
      %dma_start3A_255 = arith.constant 0 : i32
      %dma_start3A_256 = tpu.memref_slice %arg6[%add3A_249, %dma_start3A_254, %dma_start3A_255] : memref<1024x2500x32xf32, #tpu.memory_space<hbm>> -> memref<1x1264x32xf32, #tpu.memory_space<hbm>>
      %dma_start3A_257 = tpu.memref_squeeze %dma_start3A_256 : memref<1x1264x32xf32, #tpu.memory_space<hbm>> -> memref<1264x32xf32, #tpu.memory_space<hbm>>
      tpu.enqueue_dma source(%arg12 : memref<1264x32xf32, #tpu.memory_space<vmem>>) target(%dma_start3A_257 : memref<1264x32xf32, #tpu.memory_space<hbm>>) target_semaphore(%arg17 : memref<!tpu.dma_semaphore, #tpu.memory_space<semaphore_mem>>)
      %dma_wait3A_258 = arith.constant 1264 : i32
      %dma_wait3A_259 = tpu.memref_slice %arg11[%dma_wait3A_258] : memref<2528xi32, #tpu.memory_space<vmem>> -> memref<1236xi32, #tpu.memory_space<vmem>>
      %dma_wait3A_260 = arith.constant 0 : i32
      %dma_wait3A_261 = arith.constant 0 : i32
      %dma_wait3A_262 = tpu.memref_slice %arg14[%dma_wait3A_260, %dma_wait3A_261] : memref<2049x32xf32, #tpu.memory_space<vmem_shared>> -> memref<2049x32xf32, #tpu.memory_space<vmem_shared>>
      tpu.wait_indirect_dma semaphore(%arg16 : memref<!tpu.dma_semaphore, #tpu.memory_space<semaphore_mem>>) src(%dma_wait3A_262 : memref<2049x32xf32, #tpu.memory_space<vmem_shared>>) dst(%arg13 : memref<1236x32xf32, #tpu.memory_space<vmem>>)
      %add3A_263 = arith.addi %mul3A_2, %add3A_84 : i32
      %dma_start3A_264 = arith.constant 1264 : i32
      %dma_start3A_265 = arith.constant 0 : i32
      %dma_start3A_266 = tpu.memref_slice %arg6[%add3A_263, %dma_start3A_264, %dma_start3A_265] : memref<1024x2500x32xf32, #tpu.memory_space<hbm>> -> memref<1x1236x32xf32, #tpu.memory_space<hbm>>
      %dma_start3A_267 = tpu.memref_squeeze %dma_start3A_266 : memref<1x1236x32xf32, #tpu.memory_space<hbm>> -> memref<1236x32xf32, #tpu.memory_space<hbm>>
      %dma_start3A_268 = arith.constant 1264 : i32
      %dma_start3A_269 = arith.constant 0 : i32
      %dma_start3A_270 = tpu.memref_slice %arg6[%add3A_263, %dma_start3A_268, %dma_start3A_269] : memref<1024x2500x32xf32, #tpu.memory_space<hbm>> -> memref<1x1236x32xf32, #tpu.memory_space<hbm>>
      %dma_start3A_271 = tpu.memref_squeeze %dma_start3A_270 : memref<1x1236x32xf32, #tpu.memory_space<hbm>> -> memref<1236x32xf32, #tpu.memory_space<hbm>>
      tpu.enqueue_dma source(%arg13 : memref<1236x32xf32, #tpu.memory_space<vmem>>) target(%dma_start3A_271 : memref<1236x32xf32, #tpu.memory_space<hbm>>) target_semaphore(%arg18 : memref<!tpu.dma_semaphore, #tpu.memory_space<semaphore_mem>>)
      %add3A_272 = arith.addi %mul3A_2, %add3A_84 : i32
      %dma_wait3A_273 = arith.constant 0 : i32
      %dma_wait3A_274 = arith.constant 0 : i32
      %dma_wait3A_275 = tpu.memref_slice %arg6[%add3A_272, %dma_wait3A_273, %dma_wait3A_274] : memref<1024x2500x32xf32, #tpu.memory_space<hbm>> -> memref<1x1264x32xf32, #tpu.memory_space<hbm>>
      %dma_wait3A_276 = tpu.memref_squeeze %dma_wait3A_275 : memref<1x1264x32xf32, #tpu.memory_space<hbm>> -> memref<1264x32xf32, #tpu.memory_space<hbm>>
      %dma_wait3A_277 = arith.constant 0 : i32
      %dma_wait3A_278 = arith.constant 0 : i32
      %dma_wait3A_279 = tpu.memref_slice %arg6[%add3A_272, %dma_wait3A_277, %dma_wait3A_278] : memref<1024x2500x32xf32, #tpu.memory_space<hbm>> -> memref<1x1264x32xf32, #tpu.memory_space<hbm>>
      %dma_wait3A_280 = tpu.memref_squeeze %dma_wait3A_279 : memref<1x1264x32xf32, #tpu.memory_space<hbm>> -> memref<1264x32xf32, #tpu.memory_space<hbm>>
      tpu.wait_dma2 semaphore(%arg17 : memref<!tpu.dma_semaphore, #tpu.memory_space<semaphore_mem>>) src(%arg12 : memref<1264x32xf32, #tpu.memory_space<vmem>>) dst(%dma_wait3A_280 : memref<1264x32xf32, #tpu.memory_space<hbm>>)
      %dma_start3A_281 = arith.constant 0 : i32
      %dma_start3A_282 = tpu.memref_slice %arg10[%dma_start3A_281] : memref<2528xi32, #tpu.memory_space<vmem>> -> memref<1264xi32, #tpu.memory_space<vmem>>
      %dma_start3A_283 = arith.constant 0 : i32
      %dma_start3A_284 = arith.constant 0 : i32
      %dma_start3A_285 = tpu.memref_slice %arg14[%dma_start3A_283, %dma_start3A_284] : memref<2049x32xf32, #tpu.memory_space<vmem_shared>> -> memref<2049x32xf32, #tpu.memory_space<vmem_shared>>
      tpu.enqueue_indirect_dma source(%dma_start3A_285 : memref<2049x32xf32, #tpu.memory_space<vmem_shared>>) target(%arg12 : memref<1264x32xf32, #tpu.memory_space<vmem>>) offsets(%dma_start3A_282 : memref<1264xi32, #tpu.memory_space<vmem>>) semaphore(%arg15 : memref<!tpu.dma_semaphore, #tpu.memory_space<semaphore_mem>>)
      %add3A_286 = arith.addi %mul3A_2, %add3A_84 : i32
      %dma_wait3A_287 = arith.constant 1264 : i32
      %dma_wait3A_288 = arith.constant 0 : i32
      %dma_wait3A_289 = tpu.memref_slice %arg6[%add3A_286, %dma_wait3A_287, %dma_wait3A_288] : memref<1024x2500x32xf32, #tpu.memory_space<hbm>> -> memref<1x1236x32xf32, #tpu.memory_space<hbm>>
      %dma_wait3A_290 = tpu.memref_squeeze %dma_wait3A_289 : memref<1x1236x32xf32, #tpu.memory_space<hbm>> -> memref<1236x32xf32, #tpu.memory_space<hbm>>
      %dma_wait3A_291 = arith.constant 1264 : i32
      %dma_wait3A_292 = arith.constant 0 : i32
      %dma_wait3A_293 = tpu.memref_slice %arg6[%add3A_286, %dma_wait3A_291, %dma_wait3A_292] : memref<1024x2500x32xf32, #tpu.memory_space<hbm>> -> memref<1x1236x32xf32, #tpu.memory_space<hbm>>
      %dma_wait3A_294 = tpu.memref_squeeze %dma_wait3A_293 : memref<1x1236x32xf32, #tpu.memory_space<hbm>> -> memref<1236x32xf32, #tpu.memory_space<hbm>>
      tpu.wait_dma2 semaphore(%arg18 : memref<!tpu.dma_semaphore, #tpu.memory_space<semaphore_mem>>) src(%arg13 : memref<1236x32xf32, #tpu.memory_space<vmem>>) dst(%dma_wait3A_294 : memref<1236x32xf32, #tpu.memory_space<hbm>>)
      %dma_start3A_295 = arith.constant 1264 : i32
      %dma_start3A_296 = tpu.memref_slice %arg10[%dma_start3A_295] : memref<2528xi32, #tpu.memory_space<vmem>> -> memref<1236xi32, #tpu.memory_space<vmem>>
      %dma_start3A_297 = arith.constant 0 : i32
      %dma_start3A_298 = arith.constant 0 : i32
      %dma_start3A_299 = tpu.memref_slice %arg14[%dma_start3A_297, %dma_start3A_298] : memref<2049x32xf32, #tpu.memory_space<vmem_shared>> -> memref<2049x32xf32, #tpu.memory_space<vmem_shared>>
      tpu.enqueue_indirect_dma source(%dma_start3A_299 : memref<2049x32xf32, #tpu.memory_space<vmem_shared>>) target(%arg13 : memref<1236x32xf32, #tpu.memory_space<vmem>>) offsets(%dma_start3A_296 : memref<1236xi32, #tpu.memory_space<vmem>>) semaphore(%arg16 : memref<!tpu.dma_semaphore, #tpu.memory_space<semaphore_mem>>)
    }
    %scan3A_68 = arith.constant 16 : i32
    %dma_wait3A = arith.constant 0 : i32
    %dma_wait3A_69 = tpu.memref_slice %arg10[%dma_wait3A] : memref<2528xi32, #tpu.memory_space<vmem>> -> memref<1264xi32, #tpu.memory_space<vmem>>
    %dma_wait3A_70 = arith.constant 0 : i32
    %dma_wait3A_71 = arith.constant 0 : i32
    %dma_wait3A_72 = tpu.memref_slice %arg14[%dma_wait3A_70, %dma_wait3A_71] : memref<2049x32xf32, #tpu.memory_space<vmem_shared>> -> memref<2049x32xf32, #tpu.memory_space<vmem_shared>>
    tpu.wait_indirect_dma semaphore(%arg15 : memref<!tpu.dma_semaphore, #tpu.memory_space<semaphore_mem>>) src(%dma_wait3A_72 : memref<2049x32xf32, #tpu.memory_space<vmem_shared>>) dst(%arg12 : memref<1264x32xf32, #tpu.memory_space<vmem>>)
    %dma_wait3A_73 = arith.constant 1264 : i32
    %dma_wait3A_74 = tpu.memref_slice %arg10[%dma_wait3A_73] : memref<2528xi32, #tpu.memory_space<vmem>> -> memref<1236xi32, #tpu.memory_space<vmem>>
    %dma_wait3A_75 = arith.constant 0 : i32
    %dma_wait3A_76 = arith.constant 0 : i32
    %dma_wait3A_77 = tpu.memref_slice %arg14[%dma_wait3A_75, %dma_wait3A_76] : memref<2049x32xf32, #tpu.memory_space<vmem_shared>> -> memref<2049x32xf32, #tpu.memory_space<vmem_shared>>
    tpu.wait_indirect_dma semaphore(%arg16 : memref<!tpu.dma_semaphore, #tpu.memory_space<semaphore_mem>>) src(%dma_wait3A_77 : memref<2049x32xf32, #tpu.memory_space<vmem_shared>>) dst(%arg13 : memref<1236x32xf32, #tpu.memory_space<vmem>>)
    return
  }
}

</mosaic_0001>

<sc_bundles>
// kernel: kernel.3.cloned.1.call-start
scs
__scs_entry_jumppad:
0x0: {  	(pc) =	sbr.rel $0x88, $3  }
0x1: {  	(tag) =	ssettag $0x0;
	lr =	simm.s32 $0x1  }
0x2: {  	[smem:$0x3F9F] =	sst lr;
	_ =	strace $0xD0000000  }
0x3: {  	_ = 	snop  }
0x4: {  	_ = 	snop  }
0x5: {  	_ = 	snop  }
0x6: {  	_ = 	snop  }
0x7: {  	_ = 	snop  }
__scs_overlays_trampoline_lowered:
0x8: {  	[smem:$0x3FAE] =	sst s0  }
0x9: {  	[smem:$0x3FAF] =	sst s1  }
0xa: {  	[smem:$0x3FB0] =	sst s2  }
0xb: {  	[smem:$0x3FB1] =	sst s3  }
0xc: {  	[smem:$0x3FB2] =	sst s4  }
0xd: {  	[smem:$0x3FB3] =	sst s5  }
0xe: {  	[smem:$0x3FB4] =	sst s6  }
0xf: {  	[smem:$0x3FB5] =	sst s7  }
0x10: {  	[smem:$0x3FB6] =	sst s8  }
0x11: {  	[smem:$0x3FB7] =	sst s9;
	s0 =	simm.s32 @!p0 $0x0  }
0x12: {  	s1 =	sld [smem:$0x3F9D];
	s0 =	simm.s32 @p0 $0x1  }
0x13: {  	[smem:$0x3FB8] =	sst s0;
	s0 =	simm.s32 @!p1 $0x0  }
0x14: {  	s2 =	sld [smem:$0x3F9C];
	s0 =	simm.s32 @p1 $0x1  }
0x15: {  	[smem:$0x3FB9] =	sst s0;
	s0 =	simm.s32 @!p2 $0x0  }
0x16: {  	s3 =	sld [smem:$0x3FDB];
	s0 =	simm.s32 @p2 $0x1  }
0x17: {  	s4 =	simm.s32 $0x1BF5;
	[smem:$0x3FBB] =	sst s0  }
0x18: {  	s0 =	sld [smem:$0x3F9E];
	_ =	swait.ge [sflag:s4], $0x0  }
0x19: {  	s7 =	sld [smem:$0x3F9F]  }
0x1a: {  	s8 =	sadd.s32 $0xFFFFE003, lr  }
0x1b: {  	s9 =	sadd.s32 $0xFFFFFEF7, lr;
	s5 =	simm.s32 $0xFFFFFFFF;
	p2 =	slt.u32 s8, $0xFFFFF086  }
0x1c: {  	p1 =	slt.u32 s9, $0xF7A;
	s5 =	simm.s32 @!p2 $0x0  }
0x1d: {  	s5 =	simm.s32 @p1 $0x1;
	p0 =	seq.s32 s7, s2  }
0x1e: {  	s7 =	smul.u32 @!p0 $0xF7A, s2;
	p2 =	seq.s32 @!p0 s5, $0x0  }
0x1f: {  	s9 =	smul.u32 $0xF7A, s1;
	s8 =	simm.s32 @!p0 $0x1BF5;
	p2 =	por !p2, p0  }
0x20: {  	[sflag:s8] =	ssyncset.s32 @!p0 $0xFFFFF086;
	s6 =	sadd.s32 @!p0 s3, s7;
	s7 =	simm.s32 @!p0 $0x108  }
0x21: {  	s3 =	sadd.s32 s3, s9;
	s6 =	sadd.s32 @!p0 $0x88, s6;
	s7 =	simm.s32 @p2 $0x1082  }
0x22: {  	[simem:s7], [sflag:s8] =	dma.local @!p0 [hbm:s6], $0xF7A  }
0x23: {  	s9 =	sor.u32 $0xD0000000, s2;
	s6 =	simm.s32 $0x108;
	_ =	swait.ge @!p0 [sflag:s8], $0x0  }
0x24: {  	s3 =	sadd.s32 $0x88, s3;
	s6 =	simm.s32 @!p1 $0x1082;
	[sflag:s4] =	ssyncset.s32 $0xFFFFF086  }
0x25: {  	[simem:s6], [sflag:s4] =	dma.local [hbm:s3], $0xF7A  }
0x26: {  	[smem:$0x3F9F] =	sst s1;
	(tag) =	ssettag s2;
	_ =	strace s9  }
0x27: {  	s1 =	sld [smem:$0x3FAF]  }
0x28: {  	s2 =	sld [smem:$0x3FB0]  }
0x29: {  	s4 =	sld [smem:$0x3FB2]  }
0x2a: {  	p0 =	seq.s32 s5, $0x0;
	s5 =	sld [smem:$0x3FB3]  }
0x2b: {  	s6 =	sld [smem:$0x3FB4]  }
0x2c: {  	s7 =	sld [smem:$0x3FB5]  }
0x2d: {  	s3 =	simm.s32 $0x108;
	s8 =	sld [smem:$0x3FB6]  }
0x2e: {  	s3 =	simm.s32 @!p0 $0x1082;
	s9 =	sld [smem:$0x3FB7]  }
0x2f: {  	lr =	sadd.s32 s0, s3;
	s0 =	sld [smem:$0x3FAE]  }
0x30: {  	s3 =	sld [smem:$0x3FB1]  }
0x31: {  	[smem:$0x3FBA] =	sst s10  }
0x32: {  	s10 =	sld [smem:$0x3FB8];
	_ =	sdelay $0x3  }
0x33: {  	p0 =	seq.s32 s10, $0x1;
	s10 =	sld [smem:$0x3FBA];
	_ =	sdelay $0x3  }
0x34: {  	[smem:$0x3FBA] =	sst s10  }
0x35: {  	s10 =	sld [smem:$0x3FB9];
	_ =	sdelay $0x3  }
0x36: {  	p1 =	seq.s32 s10, $0x1;
	s10 =	sld [smem:$0x3FBA];
	_ =	sdelay $0x3  }
0x37: {  	[smem:$0x3FBA] =	sst s10  }
0x38: {  	s10 =	sld [smem:$0x3FBB]  }
0x39: {  	_ = 	snop;
	(pc) =	sbr.ind lr, $3  }
0x3a: {  	_ = 	snop  }
0x3b: {  	_ = 	snop  }
0x3c: {  	p2 =	seq.s32 s10, $0x1;
	s10 =	sld [smem:$0x3FBA]  }
0x3d: {  	_ =	shalt  }
0x3e: {  	_ =	shalt  }
0x3f: {  	_ =	shalt  }
0x40: {  	_ =	shalt  }
0x41: {  	_ =	shalt  }
0x42: {  	_ =	shalt  }
0x43: {  	_ =	shalt  }
0x44: {  	_ =	shalt  }
0x45: {  	_ =	shalt  }
0x46: {  	_ =	shalt  }
0x47: {  	_ =	shalt  }
0x48: {  	_ =	shalt  }
0x49: {  	_ =	shalt  }
0x4a: {  	_ =	shalt  }
0x4b: {  	_ =	shalt  }
0x4c: {  	_ =	shalt  }
0x4d: {  	_ =	shalt  }
0x4e: {  	_ =	shalt  }
0x4f: {  	_ =	shalt  }
0x50: {  	_ =	shalt  }
0x51: {  	_ =	shalt  }
0x52: {  	_ =	shalt  }
0x53: {  	_ =	shalt  }
0x54: {  	_ =	shalt  }
0x55: {  	_ =	shalt  }
0x56: {  	_ =	shalt  }
0x57: {  	_ =	shalt  }
0x58: {  	_ =	shalt  }
0x59: {  	_ =	shalt  }
0x5a: {  	_ =	shalt  }
0x5b: {  	_ =	shalt  }
0x5c: {  	_ =	shalt  }
0x5d: {  	_ =	shalt  }
0x5e: {  	_ =	shalt  }
0x5f: {  	_ =	shalt  }
0x60: {  	_ =	shalt  }
0x61: {  	_ =	shalt  }
0x62: {  	_ =	shalt  }
0x63: {  	_ =	shalt  }
0x64: {  	_ =	shalt  }
0x65: {  	_ =	shalt  }
0x66: {  	_ =	shalt  }
0x67: {  	_ =	shalt  }
0x68: {  	_ =	shalt  }
0x69: {  	_ =	shalt  }
0x6a: {  	_ =	shalt  }
0x6b: {  	_ =	shalt  }
0x6c: {  	_ =	shalt  }
0x6d: {  	_ =	shalt  }
0x6e: {  	_ =	shalt  }
0x6f: {  	_ =	shalt  }
0x70: {  	_ =	shalt  }
0x71: {  	_ =	shalt  }
0x72: {  	_ =	shalt  }
0x73: {  	_ =	shalt  }
0x74: {  	_ =	shalt  }
0x75: {  	_ =	shalt  }
0x76: {  	_ =	shalt  }
0x77: {  	_ =	shalt  }
0x78: {  	_ =	shalt  }
0x79: {  	_ =	shalt  }
0x7a: {  	_ =	shalt  }
0x7b: {  	_ =	shalt  }
0x7c: {  	_ =	shalt  }
0x7d: {  	_ =	shalt  }
0x7e: {  	_ =	shalt  }
0x7f: {  	_ =	shalt  }
0x80: {  	_ =	shalt  }
0x81: {  	_ =	shalt  }
0x82: {  	_ =	shalt  }
0x83: {  	_ =	shalt  }
0x84: {  	_ =	shalt  }
0x85: {  	_ =	shalt  }
0x86: {  	_ =	shalt  }
0x87: {  	_ =	shalt  }
.Lfunc_end0:
.L_simem_size_0:
called_computation.1_lowered:
.L_overlay_start_0:
0x88: {  	s2 =	sld [smem:$0x3FD9]  }
0x89: {  	s3 =	sld [smem:$0x3FFE];
	_ =	sdelay $0x1  }
0x8a: {  	s1 =	srdreg.scid  }
0x8b: {  	s0 =	sand.u32 $0x1, s1  }
0x8c: {  	s17 =	sshll.u32 s0, $0xA;
	s2 =	sadd.s32 s3, s2  }
0x8d: {  	s2 =	sadd.s32 s2, s17  }
0x8e: {  	[smem:$0x3FC6] =	sst s2  }
0x8f: {  	_ = 	snop  }
0x90: {  	s2 =	sld [smem:$0x3FD0];
	(tm) =	ssettm $0x1  }
0x91: {  	s18 =	sld [smem:$0x3FFB];
	_ =	sdelay $0x3  }
0x92: {  	_ =	strace s18  }
0x93: {  	s3 =	sld [smem:$0x3FFC];
	_ =	sdelay $0x3  }
0x94: {  	_ =	strace s3  }
0x95: {  	s3 =	sld [smem:$0x3FFD];
	_ =	sdelay $0x3  }
0x96: {  	_ =	strace s3  }
0x97: {  	_ =	strace $0x8FFFFFFF  }
0x98: {  	s19 =	sld [smem:$0x3FDB];
	_ =	sdelay $0x1  }
0x99: {  	s4 =	simm.s32 $_scs_section_size  }
0x9a: {  	s5 =	simm.s32 $_size__tile_overlayer_lowered;
	s6 =	simm.s32 $_tile_overlayer_lowered  }
0x9b: {  	s22 =	simm.s32 $0x1BFF;
	s21 =	sshll.u32 s6, $0x1;
	s3 =	sadd.s32 s4, s19  }
0x9c: {  	s7 =	simm.s32 $0x0;
	s20 =	sshll.u32 s5, $0x1;
	s5 =	sadd.s32 s21, s3  }
0x9d: {  	[timem:s7], [sflag:s22] =	dma.local [hbm:s5], s20  }
0x9e: {  	_ =	swait.ge [sflag:s22], s20  }
0x9f: {  	s4 =	ssub.s32 $0x0, s20;
	[sflag:s22] =	ssyncset.done $0x0  }
0xa0: {  	[sflag:s22] =	ssyncadd.s32 s4;
	_ =	sdelay $0x1  }
0xa1: {  	s23 =	simm.s32 $0x1B8B  }
0xa2: {  	_ =	swait.ge [sflag:s23], $0x1  }
0xa3: {  	[sflag:s23] =	ssyncset.done $0x0  }
0xa4: {  	s25 =	simm.s32 $0x1B8E;
	s24 =	sld [smem:$0x3FFE];
	[sflag:s23] =	ssyncadd.s32 $0xFFFFFFFF  }
0xa5: {  	s26 =	simm.s32 $execute0_lowered;
	[smem:$0x3FD2] =	sst s25  }
0xa6: {  	s5 =	sshll.u32 s26, $0x1;
	_ =	strace $0x80000046;
	[dreg:$0x1] =	wrdreg $0xFFFFFFFF  }
0xa7: {  	s28 =	simm.s32 $_size_execute0_lowered;
	s3 =	sadd.s32 s3, s5;
	[dreg:$0x0] =	wrdreg $0x0  }
0xa8: {  	s5 =	sshll.u32 s28, $0x1;
	[dreg:$0x2] =	wrdreg s3  }
0xa9: {  	[dreg:$0x3] =	wrdreg s5  }
0xaa: {  	[dreg:$0x4] =	wrdreg $0xC0  }
0xab: {  	_ =	task [dreg:s7], $0x5FFFF  }
0xac: {  	[dreg:$0x1] =	wrdreg $0xFFFFFFFF  }
0xad: {  	[dreg:$0x0] =	wrdreg $0x60  }
0xae: {  	[dreg:$0x2] =	wrdreg s24  }
0xaf: {  	[dreg:$0x3] =	wrdreg s2  }
0xb0: {  	[dreg:$0x4] =	wrdreg $0x166400  }
0xb1: {  	[dreg:$0x5] =	wrdreg $0x9  }
0xb2: {  	_ =	task.clear_ibuf [dreg:s7], $0x6FFFF;
	_ =	strace $0x90000046  }
0xb3: {  	s29 =	simm.s32 $0x9;
	_ =	strace $0x80000048  }
0xb4: {  	_ =	swait.ge [sflag:s29], $0x1  }
0xb5: {  	[sflag:s29] =	ssyncadd.s32 $0xFFFFFFFF  }
0xb6: {  	_ =	strace $0x90000048  }
0xb7: {  	_ =	sfence  }
0xb8: {  	s30 =	sld [smem:$0x0];
	_ =	sdelay $0x2  }
0xb9: {  	s31 =	sshll.u32 s1, $0xD;
	s1 =	sshrl.u32 s1, $0x2  }
0xba: {  	s3 =	sand.u32 $0x4000, s31;
	s1 =	sadd.s32 s1, s30  }
0xbb: {  	s0 =	sor.u32 s3, s0;
	s1 =	sshll.u32 s1, $0x11  }
0xbc: {  	s0 =	sor.u32 s1, s0  }
0xbd: {  	s0 =	sadd.s32 $0x8F2B, s0  }
0xbe: {  	[sflag:s0] =	ssyncadd.remote.s32 $0x1  }
0xbf: {  	_ =	sfence.sel $0xFFFF  }
0xc0: {  	[dreg:$0x0] =	wrdreg $0xFFFFFFFF;
	(pc) =	sbr.abs _section_cstart, $3  }
0xc1: {  	[dreg:$0x1] =	wrdreg $0xFFFFFFFF  }
0xc2: {  	_ =	task.clear_ibuf [dreg:s7], $0x2FFFF;
	_ =	strace $0x9FFFFFFF  }
0xc3: {  	(tm) =	ssettm $0x7FFFFFFF  }
tec
execute0_lowered:
.L_overlay_start_1:
0x0: {  	(tag) =	ssettag $0x1  }
0x1: {  	s0 =	rddreg [dreg:$0x0]  }
0x2: {  	s2 =	rddreg [dreg:$0x1];
	s1 =	srdreg.scid  }
0x3: {  	s13 =	stileid.u32;
	s3 =	rddreg [dreg:$0x2]  }
0x4: {  	s4 =	simm.s32 $0x0;
	s12 =	simm.s32 $0x5;
	s18 =	simm.s32 $0x4F0  }
0x5: {  	s19 =	simm.s32 $0x1A00;
	s20 =	simm.s32 $0x2DC0;
	s21 =	simm.s32 $0x4D4  }
0x6: {  	s28 =	simm.s32 $0x23E0;
	s29 =	simm.s32 $0x4;
	s30 =	simm.s32 $0x28D0  }
0x7: {  	s31 =	simm.s32 $0x0;
	s1 =	sand.u32 $0x1, s1;
	s5 =	sshll.u32 s13, $0x1  }
0x8: {  	[smem:$0x7FF] =	sst s4;
	s7 =	sshll.u32 s13, $0x9;
	s22 =	sadd.s32 $0x800, s0  }
0x9: {  	s23 =	sadd.s32 $0xA00, s0;
	s25 =	sshll.u32 s13, $0xC;
	s10 =	sadd.s32 $0x4600, s0  }
0xa: {  	p0 =	sne.s32 s13, $0xF;
	s26 =	sshll.u32 s13, $0x6;
	s5 =	sor.u32 s1, s5  }
0xb: {  	_ =	strace $0x80000047;
	s8 =	sadd.s32 s7, s0;
	[dreg:$0x4] =	wrdreg s22  }
0xc: {  	s1 =	ssub.s32 $0x2, s1;
	[dreg:$0x5] =	wrdreg s23;
	s15 =	sor.u32 $0x1C05, s26  }
0xd: {  	s22 =	simm.s32 $0x1EF0;
	s23 =	simm.s32 $0xCBC0;
	s6 =	smul.u32 $0xC8, s5  }
0xe: {  	s26 =	simm.s32 $0x3;
	s24 =	sshrl.u32 s1, $0x1;
	s7 =	sshll.u32 s5, $0x5  }
0xf: {  	s5 =	sadd.s32 s25, s3;
	s9 =	sadd.s32 $0x2600, s8;
	s6 =	sadd.s32 s6, s0  }
0x10: {  	s25 =	simm.s32 $0x2;
	s1 =	ssub.s32 s1, s24;
	s6 =	sadd.s32 $0xC00, s6  }
0x11: {  	s16 =	sshrl.u32 s5, $0x3;
	[dreg:$0x6] =	wrdreg s6;
	s6 =	sadd.s32 $0x10000, s3  }
0x12: {  	s24 =	simm.s32 $0x1;
	s11 =	smax.u32 s1, $0x1;
	s17 =	sshrl.u32 @!p0 s6, $0x3  }
.LBB2_1:
0x13: {  	s0 =	rddreg [dreg:$0x6]  }
0x14: {  	[tilespmem:s4], [sflag:$0x5] =	stream.linear.gather [hbm4b:s0+s4], $0x640, $0x38;
	[tilespmem:$0x17648] =	vst v63  }
0x15: {  	_ =	swait.ge [sflag:s12], $0x640  }
0x16: {  	[sflag:s12] =	ssyncset.done $0x0  }
0x17: {  	s1 =	simm.s32 $0x640;
	s8 =	rddreg [dreg:$0x4];
	[sflag:s12] =	ssyncadd.s32 $0xFFFFF9C0  }
0x18: {  	[tilespmem:s1], [sflag:$0x5] =	stream.linear.gather [hbm4b:s8+s4], $0x9E0, $0x38;
	[tilespmem:$0x17648] =	vst v63  }
0x19: {  	_ =	swait.ge [sflag:s12], $0x9E0  }
0x1a: {  	[sflag:s12] =	ssyncset.done $0x0  }
0x1b: {  	s14 =	simm.s32 $0x1020;
	s13 =	rddreg [dreg:$0x5];
	[sflag:s12] =	ssyncadd.s32 $0xFFFFF620  }
0x1c: {  	[tilespmem:s14], [sflag:$0x5] =	stream.linear.gather [hbm4b:s13+s4], $0x9E0, $0x38;
	[tilespmem:$0x17648] =	vst v63  }
0x1d: {  	_ =	swait.ge [sflag:s12], $0x9E0  }
0x1e: {  	[sflag:s12] =	ssyncset.done $0x0  }
0x1f: {  	[sflag:s12] =	ssyncadd.s32 $0xFFFFF620  }
0x20: {  	[spmem:s16], [sflag:s15] =	dma.local [hbm:s9], $0x200  }
0x21: {  	_ =	swait.ge [sflag:s12], $0x200  }
0x22: {  	[sflag:s12] =	ssyncset.done $0x0  }
0x23: {  	s0 =	simm.s32 @!p0 $0x5;
	[sflag:s12] =	ssyncadd.s32 $0xFFFFFE00  }
0x24: {  	[spmem:s17], [sflag:s15] =	dma.local @!p0 [hbm:s10], $0x4  }
0x25: {  	_ =	swait.ge @!p0 [sflag:s0], $0x4  }
0x26: {  	[sflag:s0] =	ssyncset.done @!p0 $0x0  }
0x27: {  	s5 =	simm.s32 $0x1040;
	s6 =	simm.s32 $0x1A20;
	[sflag:s0] =	ssyncadd.s32 @!p0 $0xFFFFFFFC  }
0x28: {  	s1 =	simm.s32 $0x660;
	s0 =	simm.s32 $0xFFFFFFFC;
	[bflag:$0x0] =	sbarrier.arrive $0xFFFF  }
.LBB2_2:
0x29: {  	v0 =	vld [tilespmem:s1+$0xFFFFFFE0]  }
0x2a: {  	v1 =	vld [tilespmem:s5+$0xFFFFFFE0];
	_ =	sdelay $0x6  }
0x2b: {  	v0 =	vld.idx.msk [tilespmem:v0+s4+$0x0], $0xffff  }
0x2c: {  	v1 =	vld.idx.msk [tilespmem:v1+s4+$0x0], $0xffff;
	_ =	sdelay $0x4  }
0x2d: {  	v0 =	vsub.s32 v0, v1  }
0x2e: {  	v1 =	vsub.s32 $0x0, v0  }
0x2f: {  	v0 =	vmin.u32 v0, v1  }
0x30: {  	vm0 =	vlt.s32 v0, $0x800  }
0x31: {  	v0 =	vnsel vm0, $0x800, v0  }
0x32: {  	[tilespmem:s6+$0xFFFFFFE0] =	vst v0  }
0x33: {  	v0 =	vld [tilespmem:s1+$0xFFFFFFF0]  }
0x34: {  	v61 =	vld [tilespmem:s5+$0xFFFFFFF0];
	_ =	sdelay $0x6  }
0x35: {  	v0 =	vld.idx.msk [tilespmem:v0+s4+$0x0], $0xffff  }
0x36: {  	v1 =	vld.idx.msk [tilespmem:v61+s4+$0x0], $0xffff;
	_ =	sdelay $0x4  }
0x37: {  	v0 =	vsub.s32 v0, v1  }
0x38: {  	v1 =	vsub.s32 $0x0, v0  }
0x39: {  	v0 =	vmin.u32 v0, v1  }
0x3a: {  	vm13 =	vlt.s32 v0, $0x800  }
0x3b: {  	v0 =	vnsel vm13, $0x800, v0  }
0x3c: {  	[tilespmem:s6+$0xFFFFFFF0] =	vst v0  }
0x3d: {  	v0 =	vld [tilespmem:s1+$0x0]  }
0x3e: {  	v62 =	vld [tilespmem:s5+$0x0];
	_ =	sdelay $0x6  }
0x3f: {  	v0 =	vld.idx.msk [tilespmem:v0+s4+$0x0], $0xffff  }
0x40: {  	v1 =	vld.idx.msk [tilespmem:v62+s4+$0x0], $0xffff;
	_ =	sdelay $0x4  }
0x41: {  	v0 =	vsub.s32 v0, v1  }
0x42: {  	v1 =	vsub.s32 $0x0, v0  }
0x43: {  	v0 =	vmin.u32 v0, v1  }
0x44: {  	vm14 =	vlt.s32 v0, $0x800  }
0x45: {  	v0 =	vnsel vm14, $0x800, v0  }
0x46: {  	[tilespmem:s6+$0x0] =	vst v0  }
0x47: {  	v0 =	vld [tilespmem:s1+$0x10]  }
0x48: {  	v63 =	vld [tilespmem:s5+$0x10];
	_ =	sdelay $0x6  }
0x49: {  	v0 =	vld.idx.msk [tilespmem:v0+s4+$0x0], $0xffff  }
0x4a: {  	v1 =	vld.idx.msk [tilespmem:v63+s4+$0x0], $0xffff;
	_ =	sdelay $0x3  }
0x4b: {  	s0 =	sadd.s32 $0x4, s0  }
0x4c: {  	p1 =	slt.u32 s0, $0x98;
	v0 =	vsub.s32 v0, v1  }
.Ltmp0:
0x4d: {  	v1 =	vsub.s32 $0x0, v0;
	(pc) =	sbr.rel @p1 .LBB2_2-.Ltmp0, $4  }
0x4e: {  	v0 =	vmin.u32 v0, v1  }
0x4f: {  	vm15 =	vlt.s32 v0, $0x800  }
0x50: {  	v0 =	vnsel vm15, $0x800, v0  }
0x51: {  	s1 =	sadd.s32 $0x40, s1;
	s5 =	sadd.s32 $0x40, s5;
	[tilespmem:s6+$0x10] =	vst v0;
	s6 =	sadd.s32 $0x40, s6  }
0x52: {  	v0 =	vld [tilespmem:$0x1000]  }
0x53: {  	v1 =	vld [tilespmem:$0x19E0];
	_ =	sdelay $0x5  }
0x54: {  	s1 =	simm.s32 $0x0  }
0x55: {  	v0 =	vld.idx.msk [tilespmem:v0+s1+$0x0], $0xffff  }
0x56: {  	v1 =	vld.idx.msk [tilespmem:v1+s1+$0x0], $0xffff;
	_ =	sdelay $0x2  }
0x57: {  	v2 =	vld [tilespmem:$0x1010]  }
0x58: {  	v3 =	vld [tilespmem:$0x19F0]  }
0x59: {  	v0 =	vsub.s32 v0, v1  }
0x5a: {  	v1 =	vsub.s32 $0x0, v0  }
0x5b: {  	v0 =	vmin.u32 v0, v1  }
0x5c: {  	vm0 =	vlt.s32 v0, $0x800  }
0x5d: {  	v0 =	vnsel vm0, $0x800, v0  }
0x5e: {  	[tilespmem:$0x23C0] =	vst v0  }
0x5f: {  	v0 =	vld.idx.msk [tilespmem:v2+s1+$0x0], $0xffff  }
0x60: {  	v63 =	vld.idx.msk [tilespmem:v3+s1+$0x0], $0xffff;
	_ =	sdelay $0x4  }
0x61: {  	v0 =	vsub.s32 v0, v63  }
0x62: {  	v1 =	vsub.s32 $0x0, v0  }
0x63: {  	v0 =	vmin.u32 v0, v1  }
0x64: {  	vm15 =	vlt.s32 v0, $0x800  }
0x65: {  	v0 =	vnsel vm15, $0x800, v0  }
0x66: {  	[tilespmem:$0x23D0] =	vst v0  }
0x67: {  	[tilespmem:s20], [sflag:$0x1] =	stream.indirect.gather [spmem:s3], $0x20, s19, s18, $0xb8;
	[tilespmem:$0x17648] =	vst v63  }
0x68: {  	_ = 	snop  }
0x69: {  	[tilespmem:s23], [sflag:$0x2] =	stream.indirect.gather [spmem:s3], $0x20, s22, s21, $0xb8;
	[tilespmem:$0x17648] =	vst v63  }
.LBB2_4:
0x6a: {  	s0 =	sshllo.u32 s1, $0x1  }
0x6b: {  	s5 =	smul.u32 $0x32, s0  }
0x6c: {  	s13 =	sshll.u32 s1, $0x1;
	s14 =	simm.s32 $0xFFFFFFFC  }
0x6d: {  	s6 =	simm.s32 $0x1040;
	s8 =	simm.s32 $0x2400;
	v0 =	vmov s5;
	s5 =	simm.s32 $0x660  }
.LBB2_5:
0x6e: {  	v1 =	vld [tilespmem:s5+$0xFFFFFFE0]  }
0x6f: {  	v2 =	vld [tilespmem:s6+$0xFFFFFFE0];
	_ =	sdelay $0x3  }
0x70: {  	v1 =	vadd.s32 v0, v1  }
0x71: {  	v2 =	vadd.s32 v0, v2;
	_ =	sdelay $0x3  }
0x72: {  	v1 =	vld.idx.msk [tilespmem:v1+s4+$0x0], $0xffff  }
0x73: {  	v2 =	vld.idx.msk [tilespmem:v2+s4+$0x0], $0xffff;
	_ =	sdelay $0x4  }
0x74: {  	v1 =	vsub.s32 v1, v2  }
0x75: {  	v2 =	vsub.s32 $0x0, v1  }
0x76: {  	v1 =	vmin.u32 v1, v2  }
0x77: {  	vm0 =	vlt.s32 v1, $0x800  }
0x78: {  	v1 =	vnsel vm0, $0x800, v1  }
0x79: {  	[tilespmem:s8+$0xFFFFFFE0] =	vst v1  }
0x7a: {  	v1 =	vld [tilespmem:s5+$0xFFFFFFF0]  }
0x7b: {  	v2 =	vld [tilespmem:s6+$0xFFFFFFF0];
	_ =	sdelay $0x3  }
0x7c: {  	v1 =	vadd.s32 v0, v1  }
0x7d: {  	v2 =	vadd.s32 v0, v2;
	_ =	sdelay $0x3  }
0x7e: {  	v1 =	vld.idx.msk [tilespmem:v1+s4+$0x0], $0xffff  }
0x7f: {  	v2 =	vld.idx.msk [tilespmem:v2+s4+$0x0], $0xffff;
	_ =	sdelay $0x4  }
0x80: {  	v1 =	vsub.s32 v1, v2  }
0x81: {  	v2 =	vsub.s32 $0x0, v1  }
0x82: {  	v1 =	vmin.u32 v1, v2  }
0x83: {  	vm13 =	vlt.s32 v1, $0x800  }
0x84: {  	v1 =	vnsel vm13, $0x800, v1  }
0x85: {  	[tilespmem:s8+$0xFFFFFFF0] =	vst v1  }
0x86: {  	v1 =	vld [tilespmem:s5+$0x0]  }
0x87: {  	v2 =	vld [tilespmem:s6+$0x0];
	_ =	sdelay $0x3  }
0x88: {  	v1 =	vadd.s32 v0, v1  }
0x89: {  	v2 =	vadd.s32 v0, v2;
	_ =	sdelay $0x3  }
0x8a: {  	v1 =	vld.idx.msk [tilespmem:v1+s4+$0x0], $0xffff  }
0x8b: {  	v2 =	vld.idx.msk [tilespmem:v2+s4+$0x0], $0xffff;
	_ =	sdelay $0x4  }
0x8c: {  	v1 =	vsub.s32 v1, v2  }
0x8d: {  	v2 =	vsub.s32 $0x0, v1  }
0x8e: {  	v1 =	vmin.u32 v1, v2  }
0x8f: {  	vm14 =	vlt.s32 v1, $0x800  }
0x90: {  	v1 =	vnsel vm14, $0x800, v1  }
0x91: {  	[tilespmem:s8+$0x0] =	vst v1  }
0x92: {  	v1 =	vld [tilespmem:s5+$0x10]  }
0x93: {  	v2 =	vld [tilespmem:s6+$0x10];
	_ =	sdelay $0x3  }
0x94: {  	v1 =	vadd.s32 v0, v1  }
0x95: {  	v2 =	vadd.s32 v0, v2;
	_ =	sdelay $0x3  }
0x96: {  	v1 =	vld.idx.msk [tilespmem:v1+s4+$0x0], $0xffff  }
0x97: {  	v2 =	vld.idx.msk [tilespmem:v2+s4+$0x0], $0xffff;
	_ =	sdelay $0x3  }
0x98: {  	s14 =	sadd.s32 $0x4, s14  }
0x99: {  	p1 =	slt.u32 s14, $0x98;
	v1 =	vsub.s32 v1, v2  }
.Ltmp1:
0x9a: {  	v2 =	vsub.s32 $0x0, v1;
	(pc) =	sbr.rel @p1 .LBB2_5-.Ltmp1, $4  }
0x9b: {  	v1 =	vmin.u32 v1, v2  }
0x9c: {  	vm15 =	vlt.s32 v1, $0x800  }
0x9d: {  	v1 =	vnsel vm15, $0x800, v1  }
0x9e: {  	s5 =	sadd.s32 $0x40, s5;
	s6 =	sadd.s32 $0x40, s6;
	[tilespmem:s8+$0x10] =	vst v1;
	s8 =	sadd.s32 $0x40, s8  }
0x9f: {  	v1 =	vld [tilespmem:$0x1000]  }
0xa0: {  	v2 =	vld [tilespmem:$0x19E0];
	_ =	sdelay $0x3  }
0xa1: {  	v1 =	vadd.s32 v0, v1  }
0xa2: {  	v2 =	vadd.s32 v0, v2;
	_ =	sdelay $0x3  }
0xa3: {  	v1 =	vld.idx.msk [tilespmem:v1+s4+$0x0], $0xffff  }
0xa4: {  	v2 =	vld.idx.msk [tilespmem:v2+s4+$0x0], $0xffff  }
0xa5: {  	v3 =	vld [tilespmem:$0x1010]  }
0xa6: {  	v4 =	vld [tilespmem:$0x19F0];
	_ =	sdelay $0x2  }
0xa7: {  	v1 =	vsub.s32 v1, v2  }
0xa8: {  	v3 =	vadd.s32 v0, v3;
	v2 =	vsub.s32 $0x0, v1  }
0xa9: {  	v0 =	vadd.s32 v0, v4;
	v1 =	vmin.u32 v1, v2  }
0xaa: {  	vm0 =	vlt.s32 v1, $0x800  }
0xab: {  	v1 =	vnsel vm0, $0x800, v1  }
0xac: {  	[tilespmem:$0x2DA0] =	vst v1  }
0xad: {  	v1 =	vld.idx.msk [tilespmem:v3+s4+$0x0], $0xffff  }
0xae: {  	v0 =	vld.idx.msk [tilespmem:v0+s4+$0x0], $0xffff;
	_ =	sdelay $0x4  }
0xaf: {  	v0 =	vsub.s32 v1, v0  }
0xb0: {  	v1 =	vsub.s32 $0x0, v0  }
0xb1: {  	v0 =	vmin.u32 v0, v1  }
0xb2: {  	vm15 =	vlt.s32 v0, $0x800  }
0xb3: {  	s5 =	sor.u32 s7, s13;
	v0 =	vnsel vm15, $0x800, v0  }
0xb4: {  	s5 =	smul.u32 $0x13880, s5;
	[tilespmem:$0x2DB0] =	vst v0  }
0xb5: {  	_ =	swait.ge [sflag:s24], $0x9E00  }
0xb6: {  	s5 =	sshrl.u32 s5, $0x3;
	[sflag:s24] =	ssyncset.done $0x0  }
0xb7: {  	s5 =	sadd.s32 s2, s5;
	[sflag:s24] =	ssyncadd.s32 $0xFFFF6200  }
0xb8: {  	[hbm4b:s5+s4] =	stream.linear.scatter [tilespmem:s20], [sflag:$0x3], $0x9E00, $0x38;
	[tilespmem:$0x17648] =	vst v63  }
0xb9: {  	_ =	swait.ge [sflag:s25], $0x9A80  }
0xba: {  	[sflag:s25] =	ssyncset.done $0x0  }
0xbb: {  	s5 =	sadd.s32 $0x13C0, s5;
	[sflag:s25] =	ssyncadd.s32 $0xFFFF6580  }
0xbc: {  	[hbm4b:s5+s4] =	stream.linear.scatter [tilespmem:s23], [sflag:$0x4], $0x9A80, $0x38;
	[tilespmem:$0x17648] =	vst v63  }
0xbd: {  	_ =	swait.ge [sflag:s26], $0x9E00  }
0xbe: {  	s14 =	sadd.s32 $0x2, s13;
	[sflag:s26] =	ssyncset.done $0x0  }
0xbf: {  	s5 =	sand.u32 $0x1E, s14;
	[sflag:s26] =	ssyncadd.s32 $0xFFFF6200  }
0xc0: {  	[tilespmem:s20], [sflag:$0x1] =	stream.indirect.gather [spmem:s3], $0x20, s28, s18, $0xb8;
	[tilespmem:$0x17648] =	vst v63  }
0xc1: {  	s5 =	smul.u32 $0x32, s5;
	_ =	swait.ge [sflag:s29], $0x9A80  }
0xc2: {  	s13 =	simm.s32 $0xFFFFFFFC;
	s6 =	simm.s32 $0x1040;
	[sflag:s29] =	ssyncset.done $0x0  }
0xc3: {  	s8 =	simm.s32 $0x1A20;
	v0 =	vmov s5;
	s5 =	simm.s32 $0x660;
	[sflag:s29] =	ssyncadd.s32 $0xFFFF6580  }
0xc4: {  	[tilespmem:s23], [sflag:$0x2] =	stream.indirect.gather [spmem:s3], $0x20, s30, s21, $0xb8;
	[tilespmem:$0x17648] =	vst v63  }
.LBB2_7:
0xc5: {  	v1 =	vld [tilespmem:s5+$0xFFFFFFE0]  }
0xc6: {  	v2 =	vld [tilespmem:s6+$0xFFFFFFE0];
	_ =	sdelay $0x3  }
0xc7: {  	v1 =	vadd.s32 v0, v1  }
0xc8: {  	v2 =	vadd.s32 v0, v2;
	_ =	sdelay $0x3  }
0xc9: {  	v1 =	vld.idx.msk [tilespmem:v1+s4+$0x0], $0xffff  }
0xca: {  	v2 =	vld.idx.msk [tilespmem:v2+s4+$0x0], $0xffff;
	_ =	sdelay $0x4  }
0xcb: {  	v1 =	vsub.s32 v1, v2  }
0xcc: {  	v2 =	vsub.s32 $0x0, v1  }
0xcd: {  	v1 =	vmin.u32 v1, v2  }
0xce: {  	vm0 =	vlt.s32 v1, $0x800  }
0xcf: {  	v1 =	vnsel vm0, $0x800, v1  }
0xd0: {  	[tilespmem:s8+$0xFFFFFFE0] =	vst v1  }
0xd1: {  	v1 =	vld [tilespmem:s5+$0xFFFFFFF0]  }
0xd2: {  	v2 =	vld [tilespmem:s6+$0xFFFFFFF0];
	_ =	sdelay $0x3  }
0xd3: {  	v1 =	vadd.s32 v0, v1  }
0xd4: {  	v2 =	vadd.s32 v0, v2;
	_ =	sdelay $0x3  }
0xd5: {  	v1 =	vld.idx.msk [tilespmem:v1+s4+$0x0], $0xffff  }
0xd6: {  	v2 =	vld.idx.msk [tilespmem:v2+s4+$0x0], $0xffff;
	_ =	sdelay $0x4  }
0xd7: {  	v1 =	vsub.s32 v1, v2  }
0xd8: {  	v2 =	vsub.s32 $0x0, v1  }
0xd9: {  	v1 =	vmin.u32 v1, v2  }
0xda: {  	vm13 =	vlt.s32 v1, $0x800  }
0xdb: {  	v1 =	vnsel vm13, $0x800, v1  }
0xdc: {  	[tilespmem:s8+$0xFFFFFFF0] =	vst v1  }
0xdd: {  	v1 =	vld [tilespmem:s5+$0x0]  }
0xde: {  	v2 =	vld [tilespmem:s6+$0x0];
	_ =	sdelay $0x3  }
0xdf: {  	v1 =	vadd.s32 v0, v1  }
0xe0: {  	v2 =	vadd.s32 v0, v2;
	_ =	sdelay $0x3  }
0xe1: {  	v1 =	vld.idx.msk [tilespmem:v1+s4+$0x0], $0xffff  }
0xe2: {  	v2 =	vld.idx.msk [tilespmem:v2+s4+$0x0], $0xffff;
	_ =	sdelay $0x4  }
0xe3: {  	v1 =	vsub.s32 v1, v2  }
0xe4: {  	v2 =	vsub.s32 $0x0, v1  }
0xe5: {  	v1 =	vmin.u32 v1, v2  }
0xe6: {  	vm14 =	vlt.s32 v1, $0x800  }
0xe7: {  	v1 =	vnsel vm14, $0x800, v1  }
0xe8: {  	[tilespmem:s8+$0x0] =	vst v1  }
0xe9: {  	v1 =	vld [tilespmem:s5+$0x10]  }
0xea: {  	v2 =	vld [tilespmem:s6+$0x10];
	_ =	sdelay $0x3  }
0xeb: {  	v1 =	vadd.s32 v0, v1  }
0xec: {  	v2 =	vadd.s32 v0, v2;
	_ =	sdelay $0x3  }
0xed: {  	v1 =	vld.idx.msk [tilespmem:v1+s4+$0x0], $0xffff  }
0xee: {  	v2 =	vld.idx.msk [tilespmem:v2+s4+$0x0], $0xffff;
	_ =	sdelay $0x3  }
0xef: {  	s13 =	sadd.s32 $0x4, s13  }
0xf0: {  	p1 =	slt.u32 s13, $0x98;
	v1 =	vsub.s32 v1, v2  }
.Ltmp2:
0xf1: {  	v2 =	vsub.s32 $0x0, v1;
	(pc) =	sbr.rel @p1 .LBB2_7-.Ltmp2, $4  }
0xf2: {  	v1 =	vmin.u32 v1, v2  }
0xf3: {  	vm15 =	vlt.s32 v1, $0x800  }
0xf4: {  	v1 =	vnsel vm15, $0x800, v1  }
0xf5: {  	s5 =	sadd.s32 $0x40, s5;
	s6 =	sadd.s32 $0x40, s6;
	[tilespmem:s8+$0x10] =	vst v1;
	s8 =	sadd.s32 $0x40, s8  }
0xf6: {  	v1 =	vld [tilespmem:$0x1000]  }
0xf7: {  	v2 =	vld [tilespmem:$0x19E0];
	_ =	sdelay $0x3  }
0xf8: {  	v1 =	vadd.s32 v0, v1  }
0xf9: {  	v2 =	vadd.s32 v0, v2;
	_ =	sdelay $0x3  }
0xfa: {  	v1 =	vld.idx.msk [tilespmem:v1+s4+$0x0], $0xffff  }
0xfb: {  	v2 =	vld.idx.msk [tilespmem:v2+s4+$0x0], $0xffff  }
0xfc: {  	v3 =	vld [tilespmem:$0x1010]  }
0xfd: {  	v4 =	vld [tilespmem:$0x19F0];
	_ =	sdelay $0x2  }
0xfe: {  	v1 =	vsub.s32 v1, v2  }
0xff: {  	v3 =	vadd.s32 v0, v3;
	v2 =	vsub.s32 $0x0, v1  }
0x100: {  	v63 =	vadd.s32 v0, v4;
	v1 =	vmin.u32 v1, v2  }
0x101: {  	vm0 =	vlt.s32 v1, $0x800  }
0x102: {  	v1 =	vnsel vm0, $0x800, v1  }
0x103: {  	[tilespmem:$0x23C0] =	vst v1  }
0x104: {  	v1 =	vld.idx.msk [tilespmem:v3+s4+$0x0], $0xffff  }
0x105: {  	v0 =	vld.idx.msk [tilespmem:v63+s4+$0x0], $0xffff;
	_ =	sdelay $0x4  }
0x106: {  	v0 =	vsub.s32 v1, v0  }
0x107: {  	v1 =	vsub.s32 $0x0, v0  }
0x108: {  	v0 =	vmin.u32 v0, v1  }
0x109: {  	vm15 =	vlt.s32 v0, $0x800  }
0x10a: {  	s0 =	sor.u32 s7, s0;
	v0 =	vnsel vm15, $0x800, v0  }
0x10b: {  	s0 =	smul.u32 $0x13880, s0;
	[tilespmem:$0x23D0] =	vst v0  }
0x10c: {  	_ =	swait.ge [sflag:s24], $0x9E00  }
0x10d: {  	s0 =	sshrl.u32 s0, $0x3;
	[sflag:s24] =	ssyncset.done $0x0  }
0x10e: {  	s0 =	sadd.s32 s2, s0;
	[sflag:s24] =	ssyncadd.s32 $0xFFFF6200  }
0x10f: {  	[hbm4b:s0+s4] =	stream.linear.scatter [tilespmem:s20], [sflag:$0x3], $0x9E00, $0x38;
	[tilespmem:$0x17648] =	vst v63  }
0x110: {  	_ =	swait.ge [sflag:s25], $0x9A80  }
0x111: {  	[sflag:s25] =	ssyncset.done $0x0  }
0x112: {  	s0 =	sadd.s32 $0x13C0, s0;
	[sflag:s25] =	ssyncadd.s32 $0xFFFF6580  }
0x113: {  	[hbm4b:s0+s4] =	stream.linear.scatter [tilespmem:s23], [sflag:$0x4], $0x9A80, $0x38;
	[tilespmem:$0x17648] =	vst v63  }
0x114: {  	_ =	swait.ge [sflag:s26], $0x9E00  }
0x115: {  	s1 =	sadd.s32 $0x1, s1;
	[sflag:s26] =	ssyncset.done $0x0  }
0x116: {  	p1 =	sne.s32 s1, $0x10;
	[sflag:s26] =	ssyncadd.s32 $0xFFFF6200  }
0x117: {  	[tilespmem:s20], [sflag:$0x1] =	stream.indirect.gather [spmem:s3], $0x20, s19, s18, $0xb8;
	[tilespmem:$0x17648] =	vst v63  }
.Ltmp3:
0x118: {  	_ = 	snop;
	(pc) =	sbr.rel @p1 .LBB2_4-.Ltmp3, $4  }
0x119: {  	_ =	swait.ge [sflag:s29], $0x9A80  }
0x11a: {  	[sflag:s29] =	ssyncset.done $0x0  }
0x11b: {  	[sflag:s29] =	ssyncadd.s32 $0xFFFF6580  }
0x11c: {  	[tilespmem:s23], [sflag:$0x2] =	stream.indirect.gather [spmem:s3], $0x20, s22, s21, $0xb8;
	[tilespmem:$0x17648] =	vst v63  }
0x11d: {  	s31 =	sadd.s32 $0x1, s31  }
0x11e: {  	_ =	swait.ge [sflag:s24], $0x9E00;
	p1 =	sne.s32 s31, s11  }
.Ltmp4:
0x11f: {  	[sflag:s24] =	ssyncset.done $0x0;
	(pc) =	sbr.rel @p1 .LBB2_1-.Ltmp4, $4  }
0x120: {  	[sflag:s24] =	ssyncadd.s32 $0xFFFF6200  }
0x121: {  	_ =	swait.ge [sflag:s25], $0x9A80  }
0x122: {  	[sflag:s25] =	ssyncset.done $0x0  }
0x123: {  	[sflag:s25] =	ssyncadd.s32 $0xFFFF6580  }
0x124: {  	_ =	sfence.sel $0x180000  }
0x125: {  	[bflag:$0x0] =	sbarrier.arrive $0xFFFF  }
0x126: {  	_ =	strace $0x90000047  }
0x127: {  	s0 =	stileid.u32;
	[bflag:$0x2] =	sbarrier.arrive $0xFFFF  }
0x128: {  	p0 =	sne.s32 s0, $0x0;
	s0 =	rddreg [dreg:$0x3]  }
0x129: {  	s0 =	sadd.s32 @!p0 $0x100000, s0  }
0x12a: {  	[sflag:s0] =	ssyncadd.tile.s32 @!p0 $0x1;
	_ =	shalt  }
.Lfunc_end2:
_tile_overlayer_lowered:
.L_overlay_start_2:
0x12b: {  	(tag) =	ssettag $0x2  }
0x12c: {  	s0 =	rddreg [dreg:$0x0];
	s2 =	stileid.u32  }
0x12d: {  	s1 =	rddreg [dreg:$0x1];
	p0 =	sne.s32 s2, $0x0  }
0x12e: {  	s3 =	rddreg [dreg:$0x2];
	[bflag:$0x3] =	sbarrier.arrive $0xFFFF;
	s2 =	simm.s32 @!p0 $0x1C05  }
0x12f: {  	[timem:s3], [sflag:s2] =	dma.local @!p0 [hbm:s0], s1  }
0x130: {  	s0 =	simm.s32 @!p0 $0x5  }
0x131: {  	_ =	swait.ge @!p0 [sflag:s0], s1  }
0x132: {  	s1 =	ssub.s32 @!p0 $0x0, s1;
	[sflag:s0] =	ssyncset.done @!p0 $0x0  }
0x133: {  	[sflag:s0] =	ssyncadd.s32 @!p0 s1  }
0x134: {  	[bflag:$0x3] =	sbarrier.arrive $0xFFFF  }
0x135: {  	_ =	shalt  }

// kernel: sparse-core-data-format-call.cloned.1.call-start
scs
called_computation_lowered:
.L_overlay_start_0:
0x0: {  	s2 =	sld [smem:$0x3FD9]  }
0x1: {  	s3 =	sld [smem:$0x3FFE];
	_ =	sdelay $0x1  }
0x2: {  	s1 =	srdreg.scid  }
0x3: {  	s0 =	sand.u32 $0x1, s1  }
0x4: {  	s18 =	sshll.u32 s0, $0xA;
	s2 =	sadd.s32 s3, s2  }
0x5: {  	s2 =	sadd.s32 s2, s18  }
0x6: {  	[smem:$0x3FC6] =	sst s2  }
0x7: {  	_ = 	snop  }
0x8: {  	s2 =	sld [smem:$0x3FD0];
	(tm) =	ssettm $0x1  }
0x9: {  	s19 =	sld [smem:$0x3FFB];
	_ =	sdelay $0x3  }
0xa: {  	_ =	strace s19  }
0xb: {  	s3 =	sld [smem:$0x3FFC];
	_ =	sdelay $0x3  }
0xc: {  	_ =	strace s3  }
0xd: {  	s3 =	sld [smem:$0x3FFD];
	_ =	sdelay $0x3  }
0xe: {  	_ =	strace s3  }
0xf: {  	_ =	strace $0x8FFFFFFF  }
0x10: {  	s20 =	sld [smem:$0x3FDB];
	_ =	sdelay $0x1  }
0x11: {  	s4 =	simm.s32 $_scs_section_size  }
0x12: {  	s5 =	simm.s32 $_size__tile_overlayer_lowered;
	s6 =	simm.s32 $_tile_overlayer_lowered  }
0x13: {  	s23 =	simm.s32 $0x1BFF;
	s22 =	sshll.u32 s6, $0x1;
	s3 =	sadd.s32 s4, s20  }
0x14: {  	s7 =	simm.s32 $0x0;
	s21 =	sshll.u32 s5, $0x1;
	s5 =	sadd.s32 s22, s3  }
0x15: {  	[timem:s7], [sflag:s23] =	dma.local [hbm:s5], s21  }
0x16: {  	_ =	swait.ge [sflag:s23], s21  }
0x17: {  	s4 =	ssub.s32 $0x0, s21;
	[sflag:s23] =	ssyncset.done $0x0  }
0x18: {  	[sflag:s23] =	ssyncadd.s32 s4;
	_ =	sdelay $0x1  }
0x19: {  	s24 =	simm.s32 $0x1B8B  }
0x1a: {  	_ =	swait.ge [sflag:s24], $0x1  }
0x1b: {  	[sflag:s24] =	ssyncset.done $0x0  }
0x1c: {  	s26 =	simm.s32 $0x1B8E;
	s25 =	sld [smem:$0x3FFE];
	[sflag:s24] =	ssyncadd.s32 $0xFFFFFFFF  }
0x1d: {  	s27 =	simm.s32 $execute0_lowered;
	[smem:$0x3FD2] =	sst s26  }
0x1e: {  	s5 =	sshll.u32 s27, $0x1;
	_ =	strace $0x80000049;
	[dreg:$0x1] =	wrdreg $0xFFFFFFFF  }
0x1f: {  	s28 =	simm.s32 $_size_execute0_lowered;
	s3 =	sadd.s32 s3, s5;
	[dreg:$0x0] =	wrdreg $0x0  }
0x20: {  	s5 =	sshll.u32 s28, $0x1;
	[dreg:$0x2] =	wrdreg s3  }
0x21: {  	[dreg:$0x3] =	wrdreg s5  }
0x22: {  	[dreg:$0x4] =	wrdreg $0xC0  }
0x23: {  	_ =	task [dreg:s7], $0x5FFFF  }
0x24: {  	[dreg:$0x1] =	wrdreg $0xFFFFFFFF  }
0x25: {  	[dreg:$0x0] =	wrdreg $0x60  }
0x26: {  	[dreg:$0x2] =	wrdreg s25  }
0x27: {  	[dreg:$0x3] =	wrdreg s2  }
0x28: {  	[dreg:$0x4] =	wrdreg $0x9  }
0x29: {  	_ =	task.clear_ibuf [dreg:s7], $0x5FFFF;
	_ =	strace $0x90000049  }
0x2a: {  	s29 =	simm.s32 $0x9;
	_ =	strace $0x8000004B  }
0x2b: {  	_ =	swait.ge [sflag:s29], $0x1  }
0x2c: {  	[sflag:s29] =	ssyncadd.s32 $0xFFFFFFFF  }
0x2d: {  	_ =	strace $0x9000004B  }
0x2e: {  	_ =	sfence  }
0x2f: {  	s30 =	sld [smem:$0x0];
	_ =	sdelay $0x2  }
0x30: {  	s31 =	sshll.u32 s1, $0xD;
	s1 =	sshrl.u32 s1, $0x2  }
0x31: {  	s3 =	sand.u32 $0x4000, s31;
	s1 =	sadd.s32 s1, s30  }
0x32: {  	s0 =	sor.u32 s3, s0;
	s1 =	sshll.u32 s1, $0x11  }
0x33: {  	s0 =	sor.u32 s1, s0  }
0x34: {  	s0 =	sadd.s32 $0x8F2B, s0  }
0x35: {  	[sflag:s0] =	ssyncadd.remote.s32 $0x1  }
0x36: {  	_ =	sfence.sel $0xFFFF  }
0x37: {  	[dreg:$0x0] =	wrdreg $0xFFFFFFFF;
	(pc) =	sbr.abs _section_cstart, $3  }
0x38: {  	[dreg:$0x1] =	wrdreg $0xFFFFFFFF  }
0x39: {  	_ =	task.clear_ibuf [dreg:s7], $0x2FFFF;
	_ =	strace $0x9FFFFFFF  }
0x3a: {  	(tm) =	ssettm $0x7FFFFFFF  }
0x3b: {  	_ =	shalt  }
tec
execute0_lowered:
.L_overlay_start_1:
0x0: {  	(tag) =	ssettag $0x1  }
0x1: {  	s0 =	stileid.u32;
	s6 =	rddreg [dreg:$0x0]  }
0x2: {  	s2 =	rddreg [dreg:$0x1];
	s5 =	srdreg.scid  }
0x3: {  	s31 =	simm.s32 $0x2;
	s13 =	simm.s32 $0x0;
	s1 =	sshll.u32 s0, $0x7  }
0x4: {  	s14 =	simm.s32 $0x0;
	s12 =	simm.s32 $0x0;
	s3 =	sand.u32 $0x380, s1  }
0x5: {  	s5 =	sshll.u32 s5, $0x4;
	s6 =	sadd.s32 $0x800, s6;
	s4 =	ssub.s32 $0x400, s3  }
0x6: {  	s1 =	rddreg [dreg:$0x2];
	_ =	strace $0x8000004A;
	s7 =	sand.u32 $0x380, s4  }
0x7: {  	s5 =	sand.u32 $0x10, s5;
	p0 =	sne.s32 s7, $0x0;
	s7 =	simm.s32 $0x1  }
.Ltmp0:
0x8: {  	s8 =	sshrl.u32 s4, $0xA;
	s7 =	simm.s32 @!p0 $0x0;
	(pc) =	sbr.rel .LBB1_1-.Ltmp0, $4  }
0x9: {  	s9 =	sor.u32 s0, s5;
	s4 =	simm.s32 $0x1;
	s30 =	sadd.s32 s7, s8  }
0xa: {  	s11 =	smov.u32 s3;
	[sflag:s4] =	ssyncpa.u1 $0x0;
	s5 =	smul.u32 $0x271, s30  }
0xb: {  	[sflag:s31] =	ssyncpa.u1 $0x0;
	p0 =	por $0x0, $0x0;
	s7 =	sshrl.u32 s9, $0x3  }
0xc: {  	s9 =	simm.s32 $0x2000;
	s10 =	smov.u32 s7;
	s8 =	sadd.s32 $0x1, s5  }
.LBB1_4:
0xd: {  	s16 =	sand.u32 $0xF80, s14;
	s13 =	sshll.u32 s13, $0xC  }
0xe: {  	s18 =	sshrl.u32 s14, $0x3;
	s31 =	sand.u32 $0x7, s14;
	s16 =	sadd.s32 s2, s16  }
0xf: {  	s18 =	sand.u32 $0xF, s18;
	s14 =	sshll.u32 s31, $0x12;
	s13 =	sadd.s32 s13, s16  }
0x10: {  	[tilespmem:s17+$0x0 ss:$0x81] =	vst.msk $0xffff, v0;
	s14 =	sor.u32 $0x400, s14;
	s13 =	sadd.s32 s18, s13  }
0x11: {  	[hbm4b:s13+s14] =	stream.strided.scatter [tilespmem:s15], [sflag:$0x2], $0x1000, s9, s14, $0x20;
	[tilespmem:$0x4040] =	vst v63  }
.LBB1_5:
0x12: {  	s15 =	sadd.s32 $0x4, s10  }
0x13: {  	s13 =	sadd.s32 $0x400, s11;
	s17 =	smov.u32 s11;
	p2 =	sgt.s32 s15, $0x9C3  }
0x14: {  	s17 =	smov.u32 @p2 s13  }
0x15: {  	s15 =	smov.u32 @p2 s7;
	p2 =	sgt.s32 s17, $0x3FF  }
0x16: {  	s17 =	smov.u32 @p2 s3;
	p2 =	sne.s32 s12, s8  }
.Ltmp1:
0x17: {  	p1 =	slt.u32 s12, $0x2;
	(pc) =	sbr.rel @!p2 .LBB1_6-.Ltmp1, $4  }
0x18: {  	s16 =	simm.s32 @!p1 $0x2  }
0x19: {  	s14 =	smov.u32 s11;
	p0 =	por !p0, !p0;
	_ =	swait.ge @!p1 [sflag:s16], $0x1000  }
0x1a: {  	s13 =	smov.u32 s10;
	[sflag:s16] =	ssyncset.done @!p1 $0x0;
	s10 =	smov.u32 s15  }
0x1b: {  	s12 =	sadd.s32 $0x1, s12;
	[sflag:s16] =	ssyncadd.s32 @!p1 $0xFFFFF000;
	s11 =	smov.u32 s17  }
.LBB1_1:
0x1c: {  	p1 =	sge.u32 s12, s5  }
0x1d: {  	s15 =	sand.u32 @!p1 $0x1FFFFFF, s10  }
0x1e: {  	s16 =	smulhi.u32 @!p1 $0x1A2C2A9, s15;
	_ =	sdelay $0x1  }
0x1f: {  	s16 =	sshrl.u32 @!p1 s16, $0x4  }
0x20: {  	s16 =	smul.u32 @!p1 $0x9C8, s16  }
0x21: {  	s17 =	sxor.u32 @!p1 $0xFFFFFFFF, s12;
	s18 =	smul.u32 @!p1 $0x9C80, s11  }
0x22: {  	s31 =	sadd.s32 $0xFFFFFFFF, s12;
	s17 =	sshll.u32 @!p1 s17, $0xC;
	s15 =	ssub.s32 @!p1 s15, s16  }
0x23: {  	s16 =	sand.u32 @!p1 $0x1000, s17;
	s17 =	sadd.s32 @!p1 s6, s18;
	s15 =	sshll.u32 @!p1 s15, $0x4  }
0x24: {  	s18 =	simm.s32 @!p1 $0x4E400;
	s15 =	sadd.s32 @!p1 s15, s17;
	s17 =	simm.s32 @!p1 $0x20  }
0x25: {  	[tilespmem:s16], [sflag:$0x1] =	stream.strided.gather @!p1 [hbm4b:s15+s17], $0x1000, s18, s17, $0x38;
	[tilespmem:$0x4040] =	vst v63  }
0x26: {  	p1 =	sge.u32 s31, s5  }
.Ltmp2:
0x27: {  	_ = 	snop;
	(pc) =	sbr.rel @p1 .LBB1_5-.Ltmp2, $1  }
0x28: {  	_ =	sdelay $0x3  }
0x29: {  	s15 =	simm.s32 $0x1  }
0x2a: {  	_ =	swait.ge [sflag:s4], $0x1000;
	s15 =	simm.s32 @!p0 $0x0  }
0x2b: {  	[sflag:s4] =	ssyncset.done $0x0;
	s16 =	sshll.u32 s15, $0xC  }
0x2c: {  	[sflag:s4] =	ssyncadd.s32 $0xFFFFF000;
	s19 =	sor.u32 $0x10, s16  }
0x2d: {  	s15 =	smul.u32 $0x4080, s15;
	v1 =	vld [tilespmem:s19+$0x0]  }
0x2e: {  	s30 =	sand.u32 $0x1, s12;
	v0 =	vld [tilespmem:s19+$0xFFFFFFF0]  }
0x2f: {  	s17 =	smul.u32 $0x4080, s30;
	s15 =	sshrl.u32 s15, $0x2  }
0x30: {  	s16 =	sor.u32 $0x2000, s15  }
0x31: {  	s31 =	sshrl.u32 s17, $0x2;
	s17 =	sadd.s32 $0x0, s16  }
0x32: {  	s18 =	simm.s32 $0x4;
	s19 =	sadd.s32 $0x20, s19;
	s15 =	sor.u32 $0x2000, s31;
	[tilespmem:s17+$0x810 ss:$0x81] =	vst.msk $0xffff, v1  }
.LBB1_3:
0x33: {  	v1 =	vld [tilespmem:s19+$0x0];
	p1 =	sne.s32 s18, $0x1FC;
	[tilespmem:s17+$0x0 ss:$0x81] =	vst.msk $0xffff, v0;
	s17 =	smov.u32 s18;
	s18 =	sadd.s32 $0x4, s18  }
.Ltmp3:
0x34: {  	v0 =	vld [tilespmem:s19+$0xFFFFFFF0];
	(pc) =	sbr.rel @p1 .LBB1_3-.Ltmp3, $4  }
0x35: {  	_ = 	snop  }
0x36: {  	s17 =	sshra.s32 s17, $0x2  }
0x37: {  	s17 =	sadd.s32 s17, s16  }
0x38: {  	s19 =	sadd.s32 $0x20, s19;
	[tilespmem:s17+$0x810 ss:$0x81] =	vst.msk $0xffff, v1  }
.Ltmp4:
0x39: {  	_ = 	snop;
	(pc) =	sbr.rel .LBB1_4-.Ltmp4, $1  }
0x3a: {  	_ =	sdelay $0x3  }
.LBB1_6:
0x3b: {  	_ =	sfence.sel $0x180000  }
0x3c: {  	s2 =	simm.s32 $0x1;
	[bflag:$0x0] =	sbarrier.arrive $0xFFFF  }
0x3d: {  	s31 =	simm.s32 $0x2;
	[sflag:s2] =	ssyncpa.u1 $0x1  }
0x3e: {  	[sflag:s31] =	ssyncpa.u1 $0x1  }
0x3f: {  	p0 =	sne.s32 s0, $0x0;
	_ =	strace $0x9000004A  }
0x40: {  	s0 =	sadd.s32 @!p0 $0x100000, s1;
	[bflag:$0x2] =	sbarrier.arrive $0xFFFF  }
0x41: {  	[sflag:s0] =	ssyncadd.tile.s32 @!p0 $0x1;
	_ =	shalt  }
.Lfunc_end1:
_tile_overlayer_lowered:
.L_overlay_start_2:
0x42: {  	(tag) =	ssettag $0x2  }
0x43: {  	s0 =	rddreg [dreg:$0x0];
	s2 =	stileid.u32  }
0x44: {  	s1 =	rddreg [dreg:$0x1];
	p0 =	sne.s32 s2, $0x0  }
0x45: {  	s3 =	rddreg [dreg:$0x2];
	[bflag:$0x3] =	sbarrier.arrive $0xFFFF;
	s2 =	simm.s32 @!p0 $0x1C01  }
0x46: {  	[timem:s3], [sflag:s2] =	dma.local @!p0 [hbm:s0], s1  }
0x47: {  	s0 =	simm.s32 @!p0 $0x1  }
0x48: {  	_ =	swait.ge @!p0 [sflag:s0], s1  }
0x49: {  	s1 =	ssub.s32 @!p0 $0x0, s1;
	[sflag:s0] =	ssyncset.done @!p0 $0x0  }
0x4a: {  	[sflag:s0] =	ssyncadd.s32 @!p0 s1  }
0x4b: {  	[bflag:$0x3] =	sbarrier.arrive $0xFFFF  }
0x4c: {  	_ =	shalt  }

</sc_bundles>
